<compile_context>
chip_gen: v7x
topology: tpu7x:2x2x1
jax: 0.10.2.dev20260603
libtpu: 0.0.44.dev20260713+nightly
codegen_flags: <defaults>
</compile_context>

<pallas_src>
import dataclasses
import functools

import jax
import jax.numpy as jnp
from jax import lax
from jax.experimental import pallas as pl
from jax.experimental.pallas import tpu as pltpu
from jax.experimental.pallas import tpu_sc as plsc

B, N, C, K = 2, 4096, 16, 16
RB = 256


def _topk_body(xr_ref, xa_ref, sqr_ref, sqa_ref, idx_ref):
    xr = xr_ref[0]
    xa = xa_ref[0]
    g = lax.dot_general(xr, xa, (((1,), (1,)), ((), ())),
                        preferred_element_type=jnp.float32)
    sqr = jnp.reshape(sqr_ref[0], (RB, 1))
    sqa = sqa_ref[0]
    d = jnp.maximum(sqr + sqa - 2.0 * g, 0.0)
    iota = lax.broadcasted_iota(jnp.int32, (RB, N), 1).astype(jnp.float32)
    cols = []
    for k in range(K):
        m = jnp.min(d, axis=1, keepdims=True)
        c = jnp.min(jnp.where(d == m, iota, jnp.float32(N)), axis=1,
                    keepdims=True)
        cols.append(c)
        if k + 1 < K:
            d = jnp.where(iota == c, jnp.float32(1e30), d)
    idx_ref[...] = jnp.concatenate(cols, axis=1).astype(jnp.int32)


def _tc_topk(x):
    sq = jnp.sum(x * x, axis=-1)
    sqr = sq.reshape(B * N // RB, 1, RB)
    sqa = sq.reshape(B, 1, N)
    return pl.pallas_call(
        _topk_body,
        grid=(B, N // RB),
        in_specs=[
            pl.BlockSpec((1, RB, C), lambda b, i: (b, i, 0)),
            pl.BlockSpec((1, N, C), lambda b, i: (b, 0, 0)),
            pl.BlockSpec((1, 1, RB), lambda b, i: (b * (N // RB) + i, 0, 0)),
            pl.BlockSpec((1, 1, N), lambda b, i: (b, 0, 0)),
        ],
        out_specs=pl.BlockSpec((RB, K), lambda b, i: (b * (N // RB) + i, 0)),
        out_shape=jax.ShapeDtypeStruct((B * N, K), jnp.int32),
        compiler_params=pltpu.CompilerParams(
            dimension_semantics=("parallel", "parallel")),
    )(x, x, sqr, sqa)


NW = 32
ROWS_PER_W = (B * N) // NW
CHUNK_ROWS = 4
CHUNK = CHUNK_ROWS * N
NCHUNK = ROWS_PER_W // CHUNK_ROWS
NBUF = 4


def _sc_body(idx_hbm, out_hbm, idx_v, b0, b1, b2, b3, s0, s1, s2, s3):
    bufs = [b0, b1, b2, b3]
    sems = [s0, s1, s2, s3]
    c = lax.axis_index("c")
    s = lax.axis_index("s")
    w = s * 2 + c
    base_row = w * ROWS_PER_W
    ones16 = jnp.ones((16,), jnp.float32)
    zeros16 = jnp.zeros((16,), jnp.float32)

    for q in range(NBUF):
        @pl.loop(0, CHUNK, step=16)
        def _(i, _b=bufs[q]):
            _b[pl.ds(i, 16)] = zeros16

    pltpu.sync_copy(idx_hbm.at[pl.ds(base_row, ROWS_PER_W)], idx_v)

    def do_chunk(ci, q):
        for r in range(CHUNK_ROWS):
            colv = idx_v[ci * CHUNK_ROWS + r, :]
            plsc.store_scatter(bufs[q], [colv + jnp.int32(r * N)], ones16)
        dst = out_hbm.at[pl.ds((base_row + ci * CHUNK_ROWS) * N, CHUNK)]
        pltpu.async_copy(bufs[q], dst, sems[q])

    def undo_chunk(ci, q):
        pltpu.make_async_copy(
            bufs[q], out_hbm.at[pl.ds((base_row + ci * CHUNK_ROWS) * N, CHUNK)],
            sems[q]).wait()
        for r in range(CHUNK_ROWS):
            colv = idx_v[ci * CHUNK_ROWS + r, :]
            plsc.store_scatter(bufs[q], [colv + jnp.int32(r * N)], zeros16)

    for q in range(NBUF):
        do_chunk(q, q)

    @pl.loop(NBUF, NCHUNK, step=NBUF)
    def _(ci):
        for q in range(NBUF):
            undo_chunk(ci + q - NBUF, q)
            do_chunk(ci + q, q)

    for q in range(NBUF):
        pltpu.make_async_copy(
            bufs[q],
            out_hbm.at[pl.ds((base_row + (NCHUNK - NBUF + q) * CHUNK_ROWS) * N,
                             CHUNK)],
            sems[q]).wait()


def _sc_adj(idx):
    mesh = plsc.VectorSubcoreMesh(core_axis_name="c", subcore_axis_name="s")
    cp = pltpu.CompilerParams()
    if "needs_layout_passes" in pltpu.CompilerParams.__dataclass_fields__:
        cp = dataclasses.replace(cp, needs_layout_passes=False)
    kern = pl.kernel(
        _sc_body,
        out_type=jax.ShapeDtypeStruct((B * N * N,), jnp.float32),
        mesh=mesh,
        scratch_types=[pltpu.VMEM((ROWS_PER_W, K), jnp.int32)]
        + [pltpu.VMEM((CHUNK,), jnp.float32)] * NBUF
        + [pltpu.SemaphoreType.DMA] * NBUF,
        compiler_params=cp,
    )
    return kern(idx)


def kernel(x):
    idx = _tc_topk(x)
    adj = _sc_adj(idx)
    return adj.reshape(B, N, N)

# --- scband reference (transcript-rebuilt; emitter-appended) ---
"""Pipeline reference for scband-base-gcn-31920196944505 (READ-ONLY COPY).

The authoritative reference and input builder live on the scoring server;
editing this copy changes nothing except your own understanding.
"""

import jax, jax.numpy as jnp
import numpy as np

B, N, C, K = 2, 4096, 16, 16

def setup_inputs(seed: int = 0) -> dict:
    key = jax.random.key(seed)
    x = jax.random.normal(key, (B, N, C), dtype=jnp.float32)
    return {"x": x}

def reference(x):
    # Faithful port of BaseGCN.get_adj: pairwise L2 distances (torch.cdist p=2),
    # top-k smallest per row, scatter 1.0 into a dense (B, N, N) adjacency.
    Bx, Nx, _ = x.shape
    sq = jnp.sum(x * x, axis=-1)
    d2 = sq[:, :, None] + sq[:, None, :] - 2.0 * jnp.einsum('bnc,bmc->bnm', x, x)
    distances = jnp.sqrt(jnp.maximum(d2, 0.0))
    # torch.topk(..., largest=False) == top_k of negated distances
    _, indices = jax.lax.top_k(-distances, K)  # (B, N, K) int32
    b_idx = jnp.arange(Bx)[:, None, None]
    r_idx = jnp.arange(Nx)[None, :, None]
    adjacency = jnp.zeros((Bx, Nx, Nx), dtype=jnp.float32).at[b_idx, r_idx, indices].set(1.0)
    return adjacency

if __name__ == "__main__":
    import jax
    _d = setup_inputs()
    print(jax.jit(kernel)(*tuple(_d.values())))

</pallas_src>

<mosaic_0001>
#map = affine_map<(d0, d1) -> (0, 0)>
#map1 = affine_map<(d0, d1) -> (0)>
module attributes {stable_mosaic.version = 14 : i64} {
  func.func @_sc_body(%arg0: i32, %arg1: i32, %arg2: memref<8192x16xi32, #tpu.memory_space<hbm>>, %arg3: memref<33554432xf32, #tpu.memory_space<hbm>>, %arg4: memref<256x16xi32, #tpu.memory_space<vmem>>, %arg5: memref<16384xf32, #tpu.memory_space<vmem>>, %arg6: memref<16384xf32, #tpu.memory_space<vmem>>, %arg7: memref<16384xf32, #tpu.memory_space<vmem>>, %arg8: memref<16384xf32, #tpu.memory_space<vmem>>, %arg9: memref<!tpu.dma_semaphore, #tpu.memory_space<semaphore_mem>>, %arg10: memref<!tpu.dma_semaphore, #tpu.memory_space<semaphore_mem>>, %arg11: memref<!tpu.dma_semaphore, #tpu.memory_space<semaphore_mem>>, %arg12: memref<!tpu.dma_semaphore, #tpu.memory_space<semaphore_mem>>) attributes {dimension_semantics = [#tpu.dimension_semantics<core_parallel>, #tpu.dimension_semantics<subcore_parallel>], iteration_bounds = array<i64: 2, 16>, scalar_prefetch = 0 : i64, scratch_operands = 9 : i64, tpu.core_type = #tpu.core_type<sc_vector_subcore>, window_params = [{transform_indices = #map}, {transform_indices = #map1}]} {
    %mul3A = arith.constant 2 : i32
    %mul3A_0 = arith.muli %arg1, %mul3A : i32
    %add3A = arith.addi %mul3A_0, %arg0 : i32
    %mul3A_1 = arith.constant 256 : i32
    %mul3A_2 = arith.muli %add3A, %mul3A_1 : i32
    %broadcast_in_dim3A = arith.constant 1.000000e+00 : f32
    %broadcast_in_dim3A_3 = vector.broadcast %broadcast_in_dim3A : f32 to vector<16xf32>
    %broadcast_in_dim3A_4 = arith.constant 0.000000e+00 : f32
    %broadcast_in_dim3A_5 = vector.broadcast %broadcast_in_dim3A_4 : f32 to vector<16xf32>
    %scan3A = arith.constant 0 : i32
    %scan3A_6 = arith.constant 1024 : i32
    %scan3A_7 = arith.addi %scan3A, %scan3A_6 : i32
    %scan3A_8 = arith.constant 1 : i32
    scf.for %scan3A_187 = %scan3A to %scan3A_7 step %scan3A_8  : i32 {
      %mul3A_188 = arith.constant 16 : i32
      %mul3A_189 = arith.muli %scan3A_187, %mul3A_188 : i32
      %add3A_190 = arith.constant 0 : i32
      %add3A_191 = arith.addi %add3A_190, %mul3A_189 : i32
      %swap3A = arith.index_cast %add3A_191 : i32 to index
      %swap3A_192 = tpu.vector_load %arg5[%swap3A] {strides = array<i32>} : memref<16384xf32, #tpu.memory_space<vmem>>, vector<16xf32>,
      tpu.vector_store %arg5[%swap3A], %broadcast_in_dim3A_5 {strides = array<i32>} : memref<16384xf32, #tpu.memory_space<vmem>>, vector<16xf32>,
    }
    %scan3A_9 = arith.constant 1024 : i32
    %scan3A_10 = arith.constant 0 : i32
    %scan3A_11 = arith.constant 1024 : i32
    %scan3A_12 = arith.addi %scan3A_10, %scan3A_11 : i32
    %scan3A_13 = arith.constant 1 : i32
    scf.for %scan3A_187 = %scan3A_10 to %scan3A_12 step %scan3A_13  : i32 {
      %mul3A_188 = arith.constant 16 : i32
      %mul3A_189 = arith.muli %scan3A_187, %mul3A_188 : i32
      %add3A_190 = arith.constant 0 : i32
      %add3A_191 = arith.addi %add3A_190, %mul3A_189 : i32
      %swap3A = arith.index_cast %add3A_191 : i32 to index
      %swap3A_192 = tpu.vector_load %arg6[%swap3A] {strides = array<i32>} : memref<16384xf32, #tpu.memory_space<vmem>>, vector<16xf32>,
      tpu.vector_store %arg6[%swap3A], %broadcast_in_dim3A_5 {strides = array<i32>} : memref<16384xf32, #tpu.memory_space<vmem>>, vector<16xf32>,
    }
    %scan3A_14 = arith.constant 1024 : i32
    %scan3A_15 = arith.constant 0 : i32
    %scan3A_16 = arith.constant 1024 : i32
    %scan3A_17 = arith.addi %scan3A_15, %scan3A_16 : i32
    %scan3A_18 = arith.constant 1 : i32
    scf.for %scan3A_187 = %scan3A_15 to %scan3A_17 step %scan3A_18  : i32 {
      %mul3A_188 = arith.constant 16 : i32
      %mul3A_189 = arith.muli %scan3A_187, %mul3A_188 : i32
      %add3A_190 = arith.constant 0 : i32
      %add3A_191 = arith.addi %add3A_190, %mul3A_189 : i32
      %swap3A = arith.index_cast %add3A_191 : i32 to index
      %swap3A_192 = tpu.vector_load %arg7[%swap3A] {strides = array<i32>} : memref<16384xf32, #tpu.memory_space<vmem>>, vector<16xf32>,
      tpu.vector_store %arg7[%swap3A], %broadcast_in_dim3A_5 {strides = array<i32>} : memref<16384xf32, #tpu.memory_space<vmem>>, vector<16xf32>,
    }
    %scan3A_19 = arith.constant 1024 : i32
    %scan3A_20 = arith.constant 0 : i32
    %scan3A_21 = arith.constant 1024 : i32
    %scan3A_22 = arith.addi %scan3A_20, %scan3A_21 : i32
    %scan3A_23 = arith.constant 1 : i32
    scf.for %scan3A_187 = %scan3A_20 to %scan3A_22 step %scan3A_23  : i32 {
      %mul3A_188 = arith.constant 16 : i32
      %mul3A_189 = arith.muli %scan3A_187, %mul3A_188 : i32
      %add3A_190 = arith.constant 0 : i32
      %add3A_191 = arith.addi %add3A_190, %mul3A_189 : i32
      %swap3A = arith.index_cast %add3A_191 : i32 to index
      %swap3A_192 = tpu.vector_load %arg8[%swap3A] {strides = array<i32>} : memref<16384xf32, #tpu.memory_space<vmem>>, vector<16xf32>,
      tpu.vector_store %arg8[%swap3A], %broadcast_in_dim3A_5 {strides = array<i32>} : memref<16384xf32, #tpu.memory_space<vmem>>, vector<16xf32>,
    }
    %scan3A_24 = arith.constant 1024 : i32
    "tpu.region"() ({
      %run_scoped3A = tpu.sem_alloc : memref<!tpu.dma_semaphore, #tpu.memory_space<semaphore_mem>>
      %dma_start3A_187 = arith.constant 0 : i32
      %dma_start3A_188 = tpu.memref_slice %arg2[%mul3A_2, %dma_start3A_187] : memref<8192x16xi32, #tpu.memory_space<hbm>> -> memref<256x16xi32, #tpu.memory_space<hbm>>
      %dma_start3A_189 = arith.constant 0 : i32
      %dma_start3A_190 = tpu.memref_slice %arg2[%mul3A_2, %dma_start3A_189] : memref<8192x16xi32, #tpu.memory_space<hbm>> -> memref<256x16xi32, #tpu.memory_space<hbm>>
      tpu.enqueue_dma source(%dma_start3A_190 : memref<256x16xi32, #tpu.memory_space<hbm>>) target(%arg4 : memref<256x16xi32, #tpu.memory_space<vmem>>) target_semaphore(%run_scoped3A : memref<!tpu.dma_semaphore, #tpu.memory_space<semaphore_mem>>)
      %dma_wait3A_191 = arith.constant 0 : i32
      %dma_wait3A_192 = tpu.memref_slice %arg2[%mul3A_2, %dma_wait3A_191] : memref<8192x16xi32, #tpu.memory_space<hbm>> -> memref<256x16xi32, #tpu.memory_space<hbm>>
      %dma_wait3A_193 = arith.constant 0 : i32
      %dma_wait3A_194 = tpu.memref_slice %arg2[%mul3A_2, %dma_wait3A_193] : memref<8192x16xi32, #tpu.memory_space<hbm>> -> memref<256x16xi32, #tpu.memory_space<hbm>>
      tpu.wait_dma2 semaphore(%run_scoped3A : memref<!tpu.dma_semaphore, #tpu.memory_space<semaphore_mem>>) src(%dma_wait3A_194 : memref<256x16xi32, #tpu.memory_space<hbm>>) dst(%arg4 : memref<256x16xi32, #tpu.memory_space<vmem>>)
      tpu.yield
    }) : () -> ()
    %get3A = arith.constant 0 : i32
    %get3A_25 = arith.index_cast %get3A : i32 to index
    %get3A_26 = arith.constant 0 : index
    %get3A_27 = tpu.vector_load %arg4[%get3A_25, %get3A_26] {strides = array<i32>} : memref<256x16xi32, #tpu.memory_space<vmem>>, vector<16xi32>,
    %add3A_28 = arith.constant 0 : i32
    %add3A_29 = vector.broadcast %add3A_28 : i32 to vector<16xi32>
    %add3A_30 = arith.addi %get3A_27, %add3A_29 : vector<16xi32>
    tpu.vector_store_idx %arg5[%add3A_30], %broadcast_in_dim3A_3 : memref<16384xf32, #tpu.memory_space<vmem>>[vector<16xi32>], vector<16xf32>,
    %get3A_31 = arith.constant 1 : i32
    %get3A_32 = arith.index_cast %get3A_31 : i32 to index
    %get3A_33 = arith.constant 0 : index
    %get3A_34 = tpu.vector_load %arg4[%get3A_32, %get3A_33] {strides = array<i32>} : memref<256x16xi32, #tpu.memory_space<vmem>>, vector<16xi32>,
    %add3A_35 = arith.constant 4096 : i32
    %add3A_36 = vector.broadcast %add3A_35 : i32 to vector<16xi32>
    %add3A_37 = arith.addi %get3A_34, %add3A_36 : vector<16xi32>
    tpu.vector_store_idx %arg5[%add3A_37], %broadcast_in_dim3A_3 : memref<16384xf32, #tpu.memory_space<vmem>>[vector<16xi32>], vector<16xf32>,
    %get3A_38 = arith.constant 2 : i32
    %get3A_39 = arith.index_cast %get3A_38 : i32 to index
    %get3A_40 = arith.constant 0 : index
    %get3A_41 = tpu.vector_load %arg4[%get3A_39, %get3A_40] {strides = array<i32>} : memref<256x16xi32, #tpu.memory_space<vmem>>, vector<16xi32>,
    %add3A_42 = arith.constant 8192 : i32
    %add3A_43 = vector.broadcast %add3A_42 : i32 to vector<16xi32>
    %add3A_44 = arith.addi %get3A_41, %add3A_43 : vector<16xi32>
    tpu.vector_store_idx %arg5[%add3A_44], %broadcast_in_dim3A_3 : memref<16384xf32, #tpu.memory_space<vmem>>[vector<16xi32>], vector<16xf32>,
    %get3A_45 = arith.constant 3 : i32
    %get3A_46 = arith.index_cast %get3A_45 : i32 to index
    %get3A_47 = arith.constant 0 : index
    %get3A_48 = tpu.vector_load %arg4[%get3A_46, %get3A_47] {strides = array<i32>} : memref<256x16xi32, #tpu.memory_space<vmem>>, vector<16xi32>,
    %add3A_49 = arith.constant 12288 : i32
    %add3A_50 = vector.broadcast %add3A_49 : i32 to vector<16xi32>
    %add3A_51 = arith.addi %get3A_48, %add3A_50 : vector<16xi32>
    tpu.vector_store_idx %arg5[%add3A_51], %broadcast_in_dim3A_3 : memref<16384xf32, #tpu.memory_space<vmem>>[vector<16xi32>], vector<16xf32>,
    %add3A_52 = arith.constant 0 : i32
    %add3A_53 = arith.addi %mul3A_2, %add3A_52 : i32
    %mul3A_54 = arith.constant 4096 : i32
    %mul3A_55 = arith.muli %add3A_53, %mul3A_54 : i32
    %dma_start3A = tpu.memref_slice %arg3[%mul3A_55] : memref<33554432xf32, #tpu.memory_space<hbm>> -> memref<16384xf32, #tpu.memory_space<hbm>>
    %dma_start3A_56 = tpu.memref_slice %arg3[%mul3A_55] : memref<33554432xf32, #tpu.memory_space<hbm>> -> memref<16384xf32, #tpu.memory_space<hbm>>
    tpu.enqueue_dma source(%arg5 : memref<16384xf32, #tpu.memory_space<vmem>>) target(%dma_start3A_56 : memref<16384xf32, #tpu.memory_space<hbm>>) target_semaphore(%arg9 : memref<!tpu.dma_semaphore, #tpu.memory_space<semaphore_mem>>)
    %get3A_57 = arith.constant 4 : i32
    %get3A_58 = arith.index_cast %get3A_57 : i32 to index
    %get3A_59 = arith.constant 0 : index
    %get3A_60 = tpu.vector_load %arg4[%get3A_58, %get3A_59] {strides = array<i32>} : memref<256x16xi32, #tpu.memory_space<vmem>>, vector<16xi32>,
    %add3A_61 = arith.constant 0 : i32
    %add3A_62 = vector.broadcast %add3A_61 : i32 to vector<16xi32>
    %add3A_63 = arith.addi %get3A_60, %add3A_62 : vector<16xi32>
    tpu.vector_store_idx %arg6[%add3A_63], %broadcast_in_dim3A_3 : memref<16384xf32, #tpu.memory_space<vmem>>[vector<16xi32>], vector<16xf32>,
    %get3A_64 = arith.constant 5 : i32
    %get3A_65 = arith.index_cast %get3A_64 : i32 to index
    %get3A_66 = arith.constant 0 : index
    %get3A_67 = tpu.vector_load %arg4[%get3A_65, %get3A_66] {strides = array<i32>} : memref<256x16xi32, #tpu.memory_space<vmem>>, vector<16xi32>,
    %add3A_68 = arith.constant 4096 : i32
    %add3A_69 = vector.broadcast %add3A_68 : i32 to vector<16xi32>
    %add3A_70 = arith.addi %get3A_67, %add3A_69 : vector<16xi32>
    tpu.vector_store_idx %arg6[%add3A_70], %broadcast_in_dim3A_3 : memref<16384xf32, #tpu.memory_space<vmem>>[vector<16xi32>], vector<16xf32>,
    %get3A_71 = arith.constant 6 : i32
    %get3A_72 = arith.index_cast %get3A_71 : i32 to index
    %get3A_73 = arith.constant 0 : index
    %get3A_74 = tpu.vector_load %arg4[%get3A_72, %get3A_73] {strides = array<i32>} : memref<256x16xi32, #tpu.memory_space<vmem>>, vector<16xi32>,
    %add3A_75 = arith.constant 8192 : i32
    %add3A_76 = vector.broadcast %add3A_75 : i32 to vector<16xi32>
    %add3A_77 = arith.addi %get3A_74, %add3A_76 : vector<16xi32>
    tpu.vector_store_idx %arg6[%add3A_77], %broadcast_in_dim3A_3 : memref<16384xf32, #tpu.memory_space<vmem>>[vector<16xi32>], vector<16xf32>,
    %get3A_78 = arith.constant 7 : i32
    %get3A_79 = arith.index_cast %get3A_78 : i32 to index
    %get3A_80 = arith.constant 0 : index
    %get3A_81 = tpu.vector_load %arg4[%get3A_79, %get3A_80] {strides = array<i32>} : memref<256x16xi32, #tpu.memory_space<vmem>>, vector<16xi32>,
    %add3A_82 = arith.constant 12288 : i32
    %add3A_83 = vector.broadcast %add3A_82 : i32 to vector<16xi32>
    %add3A_84 = arith.addi %get3A_81, %add3A_83 : vector<16xi32>
    tpu.vector_store_idx %arg6[%add3A_84], %broadcast_in_dim3A_3 : memref<16384xf32, #tpu.memory_space<vmem>>[vector<16xi32>], vector<16xf32>,
    %add3A_85 = arith.constant 4 : i32
    %add3A_86 = arith.addi %mul3A_2, %add3A_85 : i32
    %mul3A_87 = arith.constant 4096 : i32
    %mul3A_88 = arith.muli %add3A_86, %mul3A_87 : i32
    %dma_start3A_89 = tpu.memref_slice %arg3[%mul3A_88] : memref<33554432xf32, #tpu.memory_space<hbm>> -> memref<16384xf32, #tpu.memory_space<hbm>>
    %dma_start3A_90 = tpu.memref_slice %arg3[%mul3A_88] : memref<33554432xf32, #tpu.memory_space<hbm>> -> memref<16384xf32, #tpu.memory_space<hbm>>
    tpu.enqueue_dma source(%arg6 : memref<16384xf32, #tpu.memory_space<vmem>>) target(%dma_start3A_90 : memref<16384xf32, #tpu.memory_space<hbm>>) target_semaphore(%arg10 : memref<!tpu.dma_semaphore, #tpu.memory_space<semaphore_mem>>)
    %get3A_91 = arith.constant 8 : i32
    %get3A_92 = arith.index_cast %get3A_91 : i32 to index
    %get3A_93 = arith.constant 0 : index
    %get3A_94 = tpu.vector_load %arg4[%get3A_92, %get3A_93] {strides = array<i32>} : memref<256x16xi32, #tpu.memory_space<vmem>>, vector<16xi32>,
    %add3A_95 = arith.constant 0 : i32
    %add3A_96 = vector.broadcast %add3A_95 : i32 to vector<16xi32>
    %add3A_97 = arith.addi %get3A_94, %add3A_96 : vector<16xi32>
    tpu.vector_store_idx %arg7[%add3A_97], %broadcast_in_dim3A_3 : memref<16384xf32, #tpu.memory_space<vmem>>[vector<16xi32>], vector<16xf32>,
    %get3A_98 = arith.constant 9 : i32
    %get3A_99 = arith.index_cast %get3A_98 : i32 to index
    %get3A_100 = arith.constant 0 : index
    %get3A_101 = tpu.vector_load %arg4[%get3A_99, %get3A_100] {strides = array<i32>} : memref<256x16xi32, #tpu.memory_space<vmem>>, vector<16xi32>,
    %add3A_102 = arith.constant 4096 : i32
    %add3A_103 = vector.broadcast %add3A_102 : i32 to vector<16xi32>
    %add3A_104 = arith.addi %get3A_101, %add3A_103 : vector<16xi32>
    tpu.vector_store_idx %arg7[%add3A_104], %broadcast_in_dim3A_3 : memref<16384xf32, #tpu.memory_space<vmem>>[vector<16xi32>], vector<16xf32>,
    %get3A_105 = arith.constant 10 : i32
    %get3A_106 = arith.index_cast %get3A_105 : i32 to index
    %get3A_107 = arith.constant 0 : index
    %get3A_108 = tpu.vector_load %arg4[%get3A_106, %get3A_107] {strides = array<i32>} : memref<256x16xi32, #tpu.memory_space<vmem>>, vector<16xi32>,
    %add3A_109 = arith.constant 8192 : i32
    %add3A_110 = vector.broadcast %add3A_109 : i32 to vector<16xi32>
    %add3A_111 = arith.addi %get3A_108, %add3A_110 : vector<16xi32>
    tpu.vector_store_idx %arg7[%add3A_111], %broadcast_in_dim3A_3 : memref<16384xf32, #tpu.memory_space<vmem>>[vector<16xi32>], vector<16xf32>,
    %get3A_112 = arith.constant 11 : i32
    %get3A_113 = arith.index_cast %get3A_112 : i32 to index
    %get3A_114 = arith.constant 0 : index
    %get3A_115 = tpu.vector_load %arg4[%get3A_113, %get3A_114] {strides = array<i32>} : memref<256x16xi32, #tpu.memory_space<vmem>>, vector<16xi32>,
    %add3A_116 = arith.constant 12288 : i32
    %add3A_117 = vector.broadcast %add3A_116 : i32 to vector<16xi32>
    %add3A_118 = arith.addi %get3A_115, %add3A_117 : vector<16xi32>
    tpu.vector_store_idx %arg7[%add3A_118], %broadcast_in_dim3A_3 : memref<16384xf32, #tpu.memory_space<vmem>>[vector<16xi32>], vector<16xf32>,
    %add3A_119 = arith.constant 8 : i32
    %add3A_120 = arith.addi %mul3A_2, %add3A_119 : i32
    %mul3A_121 = arith.constant 4096 : i32
    %mul3A_122 = arith.muli %add3A_120, %mul3A_121 : i32
    %dma_start3A_123 = tpu.memref_slice %arg3[%mul3A_122] : memref<33554432xf32, #tpu.memory_space<hbm>> -> memref<16384xf32, #tpu.memory_space<hbm>>
    %dma_start3A_124 = tpu.memref_slice %arg3[%mul3A_122] : memref<33554432xf32, #tpu.memory_space<hbm>> -> memref<16384xf32, #tpu.memory_space<hbm>>
    tpu.enqueue_dma source(%arg7 : memref<16384xf32, #tpu.memory_space<vmem>>) target(%dma_start3A_124 : memref<16384xf32, #tpu.memory_space<hbm>>) target_semaphore(%arg11 : memref<!tpu.dma_semaphore, #tpu.memory_space<semaphore_mem>>)
    %get3A_125 = arith.constant 12 : i32
    %get3A_126 = arith.index_cast %get3A_125 : i32 to index
    %get3A_127 = arith.constant 0 : index
    %get3A_128 = tpu.vector_load %arg4[%get3A_126, %get3A_127] {strides = array<i32>} : memref<256x16xi32, #tpu.memory_space<vmem>>, vector<16xi32>,
    %add3A_129 = arith.constant 0 : i32
    %add3A_130 = vector.broadcast %add3A_129 : i32 to vector<16xi32>
    %add3A_131 = arith.addi %get3A_128, %add3A_130 : vector<16xi32>
    tpu.vector_store_idx %arg8[%add3A_131], %broadcast_in_dim3A_3 : memref<16384xf32, #tpu.memory_space<vmem>>[vector<16xi32>], vector<16xf32>,
    %get3A_132 = arith.constant 13 : i32
    %get3A_133 = arith.index_cast %get3A_132 : i32 to index
    %get3A_134 = arith.constant 0 : index
    %get3A_135 = tpu.vector_load %arg4[%get3A_133, %get3A_134] {strides = array<i32>} : memref<256x16xi32, #tpu.memory_space<vmem>>, vector<16xi32>,
    %add3A_136 = arith.constant 4096 : i32
    %add3A_137 = vector.broadcast %add3A_136 : i32 to vector<16xi32>
    %add3A_138 = arith.addi %get3A_135, %add3A_137 : vector<16xi32>
    tpu.vector_store_idx %arg8[%add3A_138], %broadcast_in_dim3A_3 : memref<16384xf32, #tpu.memory_space<vmem>>[vector<16xi32>], vector<16xf32>,
    %get3A_139 = arith.constant 14 : i32
    %get3A_140 = arith.index_cast %get3A_139 : i32 to index
    %get3A_141 = arith.constant 0 : index
    %get3A_142 = tpu.vector_load %arg4[%get3A_140, %get3A_141] {strides = array<i32>} : memref<256x16xi32, #tpu.memory_space<vmem>>, vector<16xi32>,
    %add3A_143 = arith.constant 8192 : i32
    %add3A_144 = vector.broadcast %add3A_143 : i32 to vector<16xi32>
    %add3A_145 = arith.addi %get3A_142, %add3A_144 : vector<16xi32>
    tpu.vector_store_idx %arg8[%add3A_145], %broadcast_in_dim3A_3 : memref<16384xf32, #tpu.memory_space<vmem>>[vector<16xi32>], vector<16xf32>,
    %get3A_146 = arith.constant 15 : i32
    %get3A_147 = arith.index_cast %get3A_146 : i32 to index
    %get3A_148 = arith.constant 0 : index
    %get3A_149 = tpu.vector_load %arg4[%get3A_147, %get3A_148] {strides = array<i32>} : memref<256x16xi32, #tpu.memory_space<vmem>>, vector<16xi32>,
    %add3A_150 = arith.constant 12288 : i32
    %add3A_151 = vector.broadcast %add3A_150 : i32 to vector<16xi32>
    %add3A_152 = arith.addi %get3A_149, %add3A_151 : vector<16xi32>
    tpu.vector_store_idx %arg8[%add3A_152], %broadcast_in_dim3A_3 : memref<16384xf32, #tpu.memory_space<vmem>>[vector<16xi32>], vector<16xf32>,
    %add3A_153 = arith.constant 12 : i32
    %add3A_154 = arith.addi %mul3A_2, %add3A_153 : i32
    %mul3A_155 = arith.constant 4096 : i32
    %mul3A_156 = arith.muli %add3A_154, %mul3A_155 : i32
    %dma_start3A_157 = tpu.memref_slice %arg3[%mul3A_156] : memref<33554432xf32, #tpu.memory_space<hbm>> -> memref<16384xf32, #tpu.memory_space<hbm>>
    %dma_start3A_158 = tpu.memref_slice %arg3[%mul3A_156] : memref<33554432xf32, #tpu.memory_space<hbm>> -> memref<16384xf32, #tpu.memory_space<hbm>>
    tpu.enqueue_dma source(%arg8 : memref<16384xf32, #tpu.memory_space<vmem>>) target(%dma_start3A_158 : memref<16384xf32, #tpu.memory_space<hbm>>) target_semaphore(%arg12 : memref<!tpu.dma_semaphore, #tpu.memory_space<semaphore_mem>>)
    %scan3A_159 = arith.constant 0 : i32
    %scan3A_160 = arith.constant 15 : i32
    %scan3A_161 = arith.addi %scan3A_159, %scan3A_160 : i32
    %scan3A_162 = arith.constant 1 : i32
    scf.for %scan3A_187 = %scan3A_159 to %scan3A_161 step %scan3A_162  : i32 {
      %mul3A_188 = arith.constant 4 : i32
      %mul3A_189 = arith.muli %scan3A_187, %mul3A_188 : i32
      %add3A_190 = arith.constant 4 : i32
      %add3A_191 = arith.addi %add3A_190, %mul3A_189 : i32
      %add3A_192 = arith.constant 0 : i32
      %add3A_193 = arith.addi %add3A_191, %add3A_192 : i32
      %sub3A = arith.constant 4 : i32
      %sub3A_194 = arith.subi %add3A_193, %sub3A : i32
      %mul3A_195 = arith.constant 4 : i32
      %mul3A_196 = arith.muli %sub3A_194, %mul3A_195 : i32
      %add3A_197 = arith.addi %mul3A_2, %mul3A_196 : i32
      %mul3A_198 = arith.constant 4096 : i32
      %mul3A_199 = arith.muli %add3A_197, %mul3A_198 : i32
      %dma_wait3A_200 = tpu.memref_slice %arg3[%mul3A_199] : memref<33554432xf32, #tpu.memory_space<hbm>> -> memref<16384xf32, #tpu.memory_space<hbm>>
      %dma_wait3A_201 = tpu.memref_slice %arg3[%mul3A_199] : memref<33554432xf32, #tpu.memory_space<hbm>> -> memref<16384xf32, #tpu.memory_space<hbm>>
      tpu.wait_dma2 semaphore(%arg9 : memref<!tpu.dma_semaphore, #tpu.memory_space<semaphore_mem>>) src(%arg5 : memref<16384xf32, #tpu.memory_space<vmem>>) dst(%dma_wait3A_201 : memref<16384xf32, #tpu.memory_space<hbm>>)
      %mul3A_202 = arith.constant 4 : i32
      %mul3A_203 = arith.muli %sub3A_194, %mul3A_202 : i32
      %add3A_204 = arith.constant 0 : i32
      %add3A_205 = arith.addi %mul3A_203, %add3A_204 : i32
      %get3A_206 = arith.index_cast %add3A_205 : i32 to index
      %get3A_207 = arith.constant 0 : index
      %get3A_208 = tpu.vector_load %arg4[%get3A_206, %get3A_207] {strides = array<i32>} : memref<256x16xi32, #tpu.memory_space<vmem>>, vector<16xi32>,
      %add3A_209 = arith.constant 0 : i32
      %add3A_210 = vector.broadcast %add3A_209 : i32 to vector<16xi32>
      %add3A_211 = arith.addi %get3A_208, %add3A_210 : vector<16xi32>
      tpu.vector_store_idx %arg5[%add3A_211], %broadcast_in_dim3A_5 : memref<16384xf32, #tpu.memory_space<vmem>>[vector<16xi32>], vector<16xf32>,
      %mul3A_212 = arith.constant 4 : i32
      %mul3A_213 = arith.muli %sub3A_194, %mul3A_212 : i32
      %add3A_214 = arith.constant 1 : i32
      %add3A_215 = arith.addi %mul3A_213, %add3A_214 : i32
      %get3A_216 = arith.index_cast %add3A_215 : i32 to index
      %get3A_217 = arith.constant 0 : index
      %get3A_218 = tpu.vector_load %arg4[%get3A_216, %get3A_217] {strides = array<i32>} : memref<256x16xi32, #tpu.memory_space<vmem>>, vector<16xi32>,
      %add3A_219 = arith.constant 4096 : i32
      %add3A_220 = vector.broadcast %add3A_219 : i32 to vector<16xi32>
      %add3A_221 = arith.addi %get3A_218, %add3A_220 : vector<16xi32>
      tpu.vector_store_idx %arg5[%add3A_221], %broadcast_in_dim3A_5 : memref<16384xf32, #tpu.memory_space<vmem>>[vector<16xi32>], vector<16xf32>,
      %mul3A_222 = arith.constant 4 : i32
      %mul3A_223 = arith.muli %sub3A_194, %mul3A_222 : i32
      %add3A_224 = arith.constant 2 : i32
      %add3A_225 = arith.addi %mul3A_223, %add3A_224 : i32
      %get3A_226 = arith.index_cast %add3A_225 : i32 to index
      %get3A_227 = arith.constant 0 : index
      %get3A_228 = tpu.vector_load %arg4[%get3A_226, %get3A_227] {strides = array<i32>} : memref<256x16xi32, #tpu.memory_space<vmem>>, vector<16xi32>,
      %add3A_229 = arith.constant 8192 : i32
      %add3A_230 = vector.broadcast %add3A_229 : i32 to vector<16xi32>
      %add3A_231 = arith.addi %get3A_228, %add3A_230 : vector<16xi32>
      tpu.vector_store_idx %arg5[%add3A_231], %broadcast_in_dim3A_5 : memref<16384xf32, #tpu.memory_space<vmem>>[vector<16xi32>], vector<16xf32>,
      %mul3A_232 = arith.constant 4 : i32
      %mul3A_233 = arith.muli %sub3A_194, %mul3A_232 : i32
      %add3A_234 = arith.constant 3 : i32
      %add3A_235 = arith.addi %mul3A_233, %add3A_234 : i32
      %get3A_236 = arith.index_cast %add3A_235 : i32 to index
      %get3A_237 = arith.constant 0 : index
      %get3A_238 = tpu.vector_load %arg4[%get3A_236, %get3A_237] {strides = array<i32>} : memref<256x16xi32, #tpu.memory_space<vmem>>, vector<16xi32>,
      %add3A_239 = arith.constant 12288 : i32
      %add3A_240 = vector.broadcast %add3A_239 : i32 to vector<16xi32>
      %add3A_241 = arith.addi %get3A_238, %add3A_240 : vector<16xi32>
      tpu.vector_store_idx %arg5[%add3A_241], %broadcast_in_dim3A_5 : memref<16384xf32, #tpu.memory_space<vmem>>[vector<16xi32>], vector<16xf32>,
      %add3A_242 = arith.constant 0 : i32
      %add3A_243 = arith.addi %add3A_191, %add3A_242 : i32
      %mul3A_244 = arith.constant 4 : i32
      %mul3A_245 = arith.muli %add3A_243, %mul3A_244 : i32
      %add3A_246 = arith.constant 0 : i32
      %add3A_247 = arith.addi %mul3A_245, %add3A_246 : i32
      %get3A_248 = arith.index_cast %add3A_247 : i32 to index
      %get3A_249 = arith.constant 0 : index
      %get3A_250 = tpu.vector_load %arg4[%get3A_248, %get3A_249] {strides = array<i32>} : memref<256x16xi32, #tpu.memory_space<vmem>>, vector<16xi32>,
      %add3A_251 = arith.constant 0 : i32
      %add3A_252 = vector.broadcast %add3A_251 : i32 to vector<16xi32>
      %add3A_253 = arith.addi %get3A_250, %add3A_252 : vector<16xi32>
      tpu.vector_store_idx %arg5[%add3A_253], %broadcast_in_dim3A_3 : memref<16384xf32, #tpu.memory_space<vmem>>[vector<16xi32>], vector<16xf32>,
      %mul3A_254 = arith.constant 4 : i32
      %mul3A_255 = arith.muli %add3A_243, %mul3A_254 : i32
      %add3A_256 = arith.constant 1 : i32
      %add3A_257 = arith.addi %mul3A_255, %add3A_256 : i32
      %get3A_258 = arith.index_cast %add3A_257 : i32 to index
      %get3A_259 = arith.constant 0 : index
      %get3A_260 = tpu.vector_load %arg4[%get3A_258, %get3A_259] {strides = array<i32>} : memref<256x16xi32, #tpu.memory_space<vmem>>, vector<16xi32>,
      %add3A_261 = arith.constant 4096 : i32
      %add3A_262 = vector.broadcast %add3A_261 : i32 to vector<16xi32>
      %add3A_263 = arith.addi %get3A_260, %add3A_262 : vector<16xi32>
      tpu.vector_store_idx %arg5[%add3A_263], %broadcast_in_dim3A_3 : memref<16384xf32, #tpu.memory_space<vmem>>[vector<16xi32>], vector<16xf32>,
      %mul3A_264 = arith.constant 4 : i32
      %mul3A_265 = arith.muli %add3A_243, %mul3A_264 : i32
      %add3A_266 = arith.constant 2 : i32
      %add3A_267 = arith.addi %mul3A_265, %add3A_266 : i32
      %get3A_268 = arith.index_cast %add3A_267 : i32 to index
      %get3A_269 = arith.constant 0 : index
      %get3A_270 = tpu.vector_load %arg4[%get3A_268, %get3A_269] {strides = array<i32>} : memref<256x16xi32, #tpu.memory_space<vmem>>, vector<16xi32>,
      %add3A_271 = arith.constant 8192 : i32
      %add3A_272 = vector.broadcast %add3A_271 : i32 to vector<16xi32>
      %add3A_273 = arith.addi %get3A_270, %add3A_272 : vector<16xi32>
      tpu.vector_store_idx %arg5[%add3A_273], %broadcast_in_dim3A_3 : memref<16384xf32, #tpu.memory_space<vmem>>[vector<16xi32>], vector<16xf32>,
      %mul3A_274 = arith.constant 4 : i32
      %mul3A_275 = arith.muli %add3A_243, %mul3A_274 : i32
      %add3A_276 = arith.constant 3 : i32
      %add3A_277 = arith.addi %mul3A_275, %add3A_276 : i32
      %get3A_278 = arith.index_cast %add3A_277 : i32 to index
      %get3A_279 = arith.constant 0 : index
      %get3A_280 = tpu.vector_load %arg4[%get3A_278, %get3A_279] {strides = array<i32>} : memref<256x16xi32, #tpu.memory_space<vmem>>, vector<16xi32>,
      %add3A_281 = arith.constant 12288 : i32
      %add3A_282 = vector.broadcast %add3A_281 : i32 to vector<16xi32>
      %add3A_283 = arith.addi %get3A_280, %add3A_282 : vector<16xi32>
      tpu.vector_store_idx %arg5[%add3A_283], %broadcast_in_dim3A_3 : memref<16384xf32, #tpu.memory_space<vmem>>[vector<16xi32>], vector<16xf32>,
      %mul3A_284 = arith.constant 4 : i32
      %mul3A_285 = arith.muli %add3A_243, %mul3A_284 : i32
      %add3A_286 = arith.addi %mul3A_2, %mul3A_285 : i32
      %mul3A_287 = arith.constant 4096 : i32
      %mul3A_288 = arith.muli %add3A_286, %mul3A_287 : i32
      %dma_start3A_289 = tpu.memref_slice %arg3[%mul3A_288] : memref<33554432xf32, #tpu.memory_space<hbm>> -> memref<16384xf32, #tpu.memory_space<hbm>>
      %dma_start3A_290 = tpu.memref_slice %arg3[%mul3A_288] : memref<33554432xf32, #tpu.memory_space<hbm>> -> memref<16384xf32, #tpu.memory_space<hbm>>
      tpu.enqueue_dma source(%arg5 : memref<16384xf32, #tpu.memory_space<vmem>>) target(%dma_start3A_290 : memref<16384xf32, #tpu.memory_space<hbm>>) target_semaphore(%arg9 : memref<!tpu.dma_semaphore, #tpu.memory_space<semaphore_mem>>)
      %add3A_291 = arith.constant 1 : i32
      %add3A_292 = arith.addi %add3A_191, %add3A_291 : i32
      %sub3A_293 = arith.constant 4 : i32
      %sub3A_294 = arith.subi %add3A_292, %sub3A_293 : i32
      %mul3A_295 = arith.constant 4 : i32
      %mul3A_296 = arith.muli %sub3A_294, %mul3A_295 : i32
      %add3A_297 = arith.addi %mul3A_2, %mul3A_296 : i32
      %mul3A_298 = arith.constant 4096 : i32
      %mul3A_299 = arith.muli %add3A_297, %mul3A_298 : i32
      %dma_wait3A_300 = tpu.memref_slice %arg3[%mul3A_299] : memref<33554432xf32, #tpu.memory_space<hbm>> -> memref<16384xf32, #tpu.memory_space<hbm>>
      %dma_wait3A_301 = tpu.memref_slice %arg3[%mul3A_299] : memref<33554432xf32, #tpu.memory_space<hbm>> -> memref<16384xf32, #tpu.memory_space<hbm>>
      tpu.wait_dma2 semaphore(%arg10 : memref<!tpu.dma_semaphore, #tpu.memory_space<semaphore_mem>>) src(%arg6 : memref<16384xf32, #tpu.memory_space<vmem>>) dst(%dma_wait3A_301 : memref<16384xf32, #tpu.memory_space<hbm>>)
      %mul3A_302 = arith.constant 4 : i32
      %mul3A_303 = arith.muli %sub3A_294, %mul3A_302 : i32
      %add3A_304 = arith.constant 0 : i32
      %add3A_305 = arith.addi %mul3A_303, %add3A_304 : i32
      %get3A_306 = arith.index_cast %add3A_305 : i32 to index
      %get3A_307 = arith.constant 0 : index
      %get3A_308 = tpu.vector_load %arg4[%get3A_306, %get3A_307] {strides = array<i32>} : memref<256x16xi32, #tpu.memory_space<vmem>>, vector<16xi32>,
      %add3A_309 = arith.constant 0 : i32
      %add3A_310 = vector.broadcast %add3A_309 : i32 to vector<16xi32>
      %add3A_311 = arith.addi %get3A_308, %add3A_310 : vector<16xi32>
      tpu.vector_store_idx %arg6[%add3A_311], %broadcast_in_dim3A_5 : memref<16384xf32, #tpu.memory_space<vmem>>[vector<16xi32>], vector<16xf32>,
      %mul3A_312 = arith.constant 4 : i32
      %mul3A_313 = arith.muli %sub3A_294, %mul3A_312 : i32
      %add3A_314 = arith.constant 1 : i32
      %add3A_315 = arith.addi %mul3A_313, %add3A_314 : i32
      %get3A_316 = arith.index_cast %add3A_315 : i32 to index
      %get3A_317 = arith.constant 0 : index
      %get3A_318 = tpu.vector_load %arg4[%get3A_316, %get3A_317] {strides = array<i32>} : memref<256x16xi32, #tpu.memory_space<vmem>>, vector<16xi32>,
      %add3A_319 = arith.constant 4096 : i32
      %add3A_320 = vector.broadcast %add3A_319 : i32 to vector<16xi32>
      %add3A_321 = arith.addi %get3A_318, %add3A_320 : vector<16xi32>
      tpu.vector_store_idx %arg6[%add3A_321], %broadcast_in_dim3A_5 : memref<16384xf32, #tpu.memory_space<vmem>>[vector<16xi32>], vector<16xf32>,
      %mul3A_322 = arith.constant 4 : i32
      %mul3A_323 = arith.muli %sub3A_294, %mul3A_322 : i32
      %add3A_324 = arith.constant 2 : i32
      %add3A_325 = arith.addi %mul3A_323, %add3A_324 : i32
      %get3A_326 = arith.index_cast %add3A_325 : i32 to index
      %get3A_327 = arith.constant 0 : index
      %get3A_328 = tpu.vector_load %arg4[%get3A_326, %get3A_327] {strides = array<i32>} : memref<256x16xi32, #tpu.memory_space<vmem>>, vector<16xi32>,
      %add3A_329 = arith.constant 8192 : i32
      %add3A_330 = vector.broadcast %add3A_329 : i32 to vector<16xi32>
      %add3A_331 = arith.addi %get3A_328, %add3A_330 : vector<16xi32>
      tpu.vector_store_idx %arg6[%add3A_331], %broadcast_in_dim3A_5 : memref<16384xf32, #tpu.memory_space<vmem>>[vector<16xi32>], vector<16xf32>,
      %mul3A_332 = arith.constant 4 : i32
      %mul3A_333 = arith.muli %sub3A_294, %mul3A_332 : i32
      %add3A_334 = arith.constant 3 : i32
      %add3A_335 = arith.addi %mul3A_333, %add3A_334 : i32
      %get3A_336 = arith.index_cast %add3A_335 : i32 to index
      %get3A_337 = arith.constant 0 : index
      %get3A_338 = tpu.vector_load %arg4[%get3A_336, %get3A_337] {strides = array<i32>} : memref<256x16xi32, #tpu.memory_space<vmem>>, vector<16xi32>,
      %add3A_339 = arith.constant 12288 : i32
      %add3A_340 = vector.broadcast %add3A_339 : i32 to vector<16xi32>
      %add3A_341 = arith.addi %get3A_338, %add3A_340 : vector<16xi32>
      tpu.vector_store_idx %arg6[%add3A_341], %broadcast_in_dim3A_5 : memref<16384xf32, #tpu.memory_space<vmem>>[vector<16xi32>], vector<16xf32>,
      %add3A_342 = arith.constant 1 : i32
      %add3A_343 = arith.addi %add3A_191, %add3A_342 : i32
      %mul3A_344 = arith.constant 4 : i32
      %mul3A_345 = arith.muli %add3A_343, %mul3A_344 : i32
      %add3A_346 = arith.constant 0 : i32
      %add3A_347 = arith.addi %mul3A_345, %add3A_346 : i32
      %get3A_348 = arith.index_cast %add3A_347 : i32 to index
      %get3A_349 = arith.constant 0 : index
      %get3A_350 = tpu.vector_load %arg4[%get3A_348, %get3A_349] {strides = array<i32>} : memref<256x16xi32, #tpu.memory_space<vmem>>, vector<16xi32>,
      %add3A_351 = arith.constant 0 : i32
      %add3A_352 = vector.broadcast %add3A_351 : i32 to vector<16xi32>
      %add3A_353 = arith.addi %get3A_350, %add3A_352 : vector<16xi32>
      tpu.vector_store_idx %arg6[%add3A_353], %broadcast_in_dim3A_3 : memref<16384xf32, #tpu.memory_space<vmem>>[vector<16xi32>], vector<16xf32>,
      %mul3A_354 = arith.constant 4 : i32
      %mul3A_355 = arith.muli %add3A_343, %mul3A_354 : i32
      %add3A_356 = arith.constant 1 : i32
      %add3A_357 = arith.addi %mul3A_355, %add3A_356 : i32
      %get3A_358 = arith.index_cast %add3A_357 : i32 to index
      %get3A_359 = arith.constant 0 : index
      %get3A_360 = tpu.vector_load %arg4[%get3A_358, %get3A_359] {strides = array<i32>} : memref<256x16xi32, #tpu.memory_space<vmem>>, vector<16xi32>,
      %add3A_361 = arith.constant 4096 : i32
      %add3A_362 = vector.broadcast %add3A_361 : i32 to vector<16xi32>
      %add3A_363 = arith.addi %get3A_360, %add3A_362 : vector<16xi32>
      tpu.vector_store_idx %arg6[%add3A_363], %broadcast_in_dim3A_3 : memref<16384xf32, #tpu.memory_space<vmem>>[vector<16xi32>], vector<16xf32>,
      %mul3A_364 = arith.constant 4 : i32
      %mul3A_365 = arith.muli %add3A_343, %mul3A_364 : i32
      %add3A_366 = arith.constant 2 : i32
      %add3A_367 = arith.addi %mul3A_365, %add3A_366 : i32
      %get3A_368 = arith.index_cast %add3A_367 : i32 to index
      %get3A_369 = arith.constant 0 : index
      %get3A_370 = tpu.vector_load %arg4[%get3A_368, %get3A_369] {strides = array<i32>} : memref<256x16xi32, #tpu.memory_space<vmem>>, vector<16xi32>,
      %add3A_371 = arith.constant 8192 : i32
      %add3A_372 = vector.broadcast %add3A_371 : i32 to vector<16xi32>
      %add3A_373 = arith.addi %get3A_370, %add3A_372 : vector<16xi32>
      tpu.vector_store_idx %arg6[%add3A_373], %broadcast_in_dim3A_3 : memref<16384xf32, #tpu.memory_space<vmem>>[vector<16xi32>], vector<16xf32>,
      %mul3A_374 = arith.constant 4 : i32
      %mul3A_375 = arith.muli %add3A_343, %mul3A_374 : i32
      %add3A_376 = arith.constant 3 : i32
      %add3A_377 = arith.addi %mul3A_375, %add3A_376 : i32
      %get3A_378 = arith.index_cast %add3A_377 : i32 to index
      %get3A_379 = arith.constant 0 : index
      %get3A_380 = tpu.vector_load %arg4[%get3A_378, %get3A_379] {strides = array<i32>} : memref<256x16xi32, #tpu.memory_space<vmem>>, vector<16xi32>,
      %add3A_381 = arith.constant 12288 : i32
      %add3A_382 = vector.broadcast %add3A_381 : i32 to vector<16xi32>
      %add3A_383 = arith.addi %get3A_380, %add3A_382 : vector<16xi32>
      tpu.vector_store_idx %arg6[%add3A_383], %broadcast_in_dim3A_3 : memref<16384xf32, #tpu.memory_space<vmem>>[vector<16xi32>], vector<16xf32>,
      %mul3A_384 = arith.constant 4 : i32
      %mul3A_385 = arith.muli %add3A_343, %mul3A_384 : i32
      %add3A_386 = arith.addi %mul3A_2, %mul3A_385 : i32
      %mul3A_387 = arith.constant 4096 : i32
      %mul3A_388 = arith.muli %add3A_386, %mul3A_387 : i32
      %dma_start3A_389 = tpu.memref_slice %arg3[%mul3A_388] : memref<33554432xf32, #tpu.memory_space<hbm>> -> memref<16384xf32, #tpu.memory_space<hbm>>
      %dma_start3A_390 = tpu.memref_slice %arg3[%mul3A_388] : memref<33554432xf32, #tpu.memory_space<hbm>> -> memref<16384xf32, #tpu.memory_space<hbm>>
      tpu.enqueue_dma source(%arg6 : memref<16384xf32, #tpu.memory_space<vmem>>) target(%dma_start3A_390 : memref<16384xf32, #tpu.memory_space<hbm>>) target_semaphore(%arg10 : memref<!tpu.dma_semaphore, #tpu.memory_space<semaphore_mem>>)
      %add3A_391 = arith.constant 2 : i32
      %add3A_392 = arith.addi %add3A_191, %add3A_391 : i32
      %sub3A_393 = arith.constant 4 : i32
      %sub3A_394 = arith.subi %add3A_392, %sub3A_393 : i32
      %mul3A_395 = arith.constant 4 : i32
      %mul3A_396 = arith.muli %sub3A_394, %mul3A_395 : i32
      %add3A_397 = arith.addi %mul3A_2, %mul3A_396 : i32
      %mul3A_398 = arith.constant 4096 : i32
      %mul3A_399 = arith.muli %add3A_397, %mul3A_398 : i32
      %dma_wait3A_400 = tpu.memref_slice %arg3[%mul3A_399] : memref<33554432xf32, #tpu.memory_space<hbm>> -> memref<16384xf32, #tpu.memory_space<hbm>>
      %dma_wait3A_401 = tpu.memref_slice %arg3[%mul3A_399] : memref<33554432xf32, #tpu.memory_space<hbm>> -> memref<16384xf32, #tpu.memory_space<hbm>>
      tpu.wait_dma2 semaphore(%arg11 : memref<!tpu.dma_semaphore, #tpu.memory_space<semaphore_mem>>) src(%arg7 : memref<16384xf32, #tpu.memory_space<vmem>>) dst(%dma_wait3A_401 : memref<16384xf32, #tpu.memory_space<hbm>>)
      %mul3A_402 = arith.constant 4 : i32
      %mul3A_403 = arith.muli %sub3A_394, %mul3A_402 : i32
      %add3A_404 = arith.constant 0 : i32
      %add3A_405 = arith.addi %mul3A_403, %add3A_404 : i32
      %get3A_406 = arith.index_cast %add3A_405 : i32 to index
      %get3A_407 = arith.constant 0 : index
      %get3A_408 = tpu.vector_load %arg4[%get3A_406, %get3A_407] {strides = array<i32>} : memref<256x16xi32, #tpu.memory_space<vmem>>, vector<16xi32>,
      %add3A_409 = arith.constant 0 : i32
      %add3A_410 = vector.broadcast %add3A_409 : i32 to vector<16xi32>
      %add3A_411 = arith.addi %get3A_408, %add3A_410 : vector<16xi32>
      tpu.vector_store_idx %arg7[%add3A_411], %broadcast_in_dim3A_5 : memref<16384xf32, #tpu.memory_space<vmem>>[vector<16xi32>], vector<16xf32>,
      %mul3A_412 = arith.constant 4 : i32
      %mul3A_413 = arith.muli %sub3A_394, %mul3A_412 : i32
      %add3A_414 = arith.constant 1 : i32
      %add3A_415 = arith.addi %mul3A_413, %add3A_414 : i32
      %get3A_416 = arith.index_cast %add3A_415 : i32 to index
      %get3A_417 = arith.constant 0 : index
      %get3A_418 = tpu.vector_load %arg4[%get3A_416, %get3A_417] {strides = array<i32>} : memref<256x16xi32, #tpu.memory_space<vmem>>, vector<16xi32>,
      %add3A_419 = arith.constant 4096 : i32
      %add3A_420 = vector.broadcast %add3A_419 : i32 to vector<16xi32>
      %add3A_421 = arith.addi %get3A_418, %add3A_420 : vector<16xi32>
      tpu.vector_store_idx %arg7[%add3A_421], %broadcast_in_dim3A_5 : memref<16384xf32, #tpu.memory_space<vmem>>[vector<16xi32>], vector<16xf32>,
      %mul3A_422 = arith.constant 4 : i32
      %mul3A_423 = arith.muli %sub3A_394, %mul3A_422 : i32
      %add3A_424 = arith.constant 2 : i32
      %add3A_425 = arith.addi %mul3A_423, %add3A_424 : i32
      %get3A_426 = arith.index_cast %add3A_425 : i32 to index
      %get3A_427 = arith.constant 0 : index
      %get3A_428 = tpu.vector_load %arg4[%get3A_426, %get3A_427] {strides = array<i32>} : memref<256x16xi32, #tpu.memory_space<vmem>>, vector<16xi32>,
      %add3A_429 = arith.constant 8192 : i32
      %add3A_430 = vector.broadcast %add3A_429 : i32 to vector<16xi32>
      %add3A_431 = arith.addi %get3A_428, %add3A_430 : vector<16xi32>
      tpu.vector_store_idx %arg7[%add3A_431], %broadcast_in_dim3A_5 : memref<16384xf32, #tpu.memory_space<vmem>>[vector<16xi32>], vector<16xf32>,
      %mul3A_432 = arith.constant 4 : i32
      %mul3A_433 = arith.muli %sub3A_394, %mul3A_432 : i32
      %add3A_434 = arith.constant 3 : i32
      %add3A_435 = arith.addi %mul3A_433, %add3A_434 : i32
      %get3A_436 = arith.index_cast %add3A_435 : i32 to index
      %get3A_437 = arith.constant 0 : index
      %get3A_438 = tpu.vector_load %arg4[%get3A_436, %get3A_437] {strides = array<i32>} : memref<256x16xi32, #tpu.memory_space<vmem>>, vector<16xi32>,
      %add3A_439 = arith.constant 12288 : i32
      %add3A_440 = vector.broadcast %add3A_439 : i32 to vector<16xi32>
      %add3A_441 = arith.addi %get3A_438, %add3A_440 : vector<16xi32>
      tpu.vector_store_idx %arg7[%add3A_441], %broadcast_in_dim3A_5 : memref<16384xf32, #tpu.memory_space<vmem>>[vector<16xi32>], vector<16xf32>,
      %add3A_442 = arith.constant 2 : i32
      %add3A_443 = arith.addi %add3A_191, %add3A_442 : i32
      %mul3A_444 = arith.constant 4 : i32
      %mul3A_445 = arith.muli %add3A_443, %mul3A_444 : i32
      %add3A_446 = arith.constant 0 : i32
      %add3A_447 = arith.addi %mul3A_445, %add3A_446 : i32
      %get3A_448 = arith.index_cast %add3A_447 : i32 to index
      %get3A_449 = arith.constant 0 : index
      %get3A_450 = tpu.vector_load %arg4[%get3A_448, %get3A_449] {strides = array<i32>} : memref<256x16xi32, #tpu.memory_space<vmem>>, vector<16xi32>,
      %add3A_451 = arith.constant 0 : i32
      %add3A_452 = vector.broadcast %add3A_451 : i32 to vector<16xi32>
      %add3A_453 = arith.addi %get3A_450, %add3A_452 : vector<16xi32>
      tpu.vector_store_idx %arg7[%add3A_453], %broadcast_in_dim3A_3 : memref<16384xf32, #tpu.memory_space<vmem>>[vector<16xi32>], vector<16xf32>,
      %mul3A_454 = arith.constant 4 : i32
      %mul3A_455 = arith.muli %add3A_443, %mul3A_454 : i32
      %add3A_456 = arith.constant 1 : i32
      %add3A_457 = arith.addi %mul3A_455, %add3A_456 : i32
      %get3A_458 = arith.index_cast %add3A_457 : i32 to index
      %get3A_459 = arith.constant 0 : index
      %get3A_460 = tpu.vector_load %arg4[%get3A_458, %get3A_459] {strides = array<i32>} : memref<256x16xi32, #tpu.memory_space<vmem>>, vector<16xi32>,
      %add3A_461 = arith.constant 4096 : i32
      %add3A_462 = vector.broadcast %add3A_461 : i32 to vector<16xi32>
      %add3A_463 = arith.addi %get3A_460, %add3A_462 : vector<16xi32>
      tpu.vector_store_idx %arg7[%add3A_463], %broadcast_in_dim3A_3 : memref<16384xf32, #tpu.memory_space<vmem>>[vector<16xi32>], vector<16xf32>,
      %mul3A_464 = arith.constant 4 : i32
      %mul3A_465 = arith.muli %add3A_443, %mul3A_464 : i32
      %add3A_466 = arith.constant 2 : i32
      %add3A_467 = arith.addi %mul3A_465, %add3A_466 : i32
      %get3A_468 = arith.index_cast %add3A_467 : i32 to index
      %get3A_469 = arith.constant 0 : index
      %get3A_470 = tpu.vector_load %arg4[%get3A_468, %get3A_469] {strides = array<i32>} : memref<256x16xi32, #tpu.memory_space<vmem>>, vector<16xi32>,
      %add3A_471 = arith.constant 8192 : i32
      %add3A_472 = vector.broadcast %add3A_471 : i32 to vector<16xi32>
      %add3A_473 = arith.addi %get3A_470, %add3A_472 : vector<16xi32>
      tpu.vector_store_idx %arg7[%add3A_473], %broadcast_in_dim3A_3 : memref<16384xf32, #tpu.memory_space<vmem>>[vector<16xi32>], vector<16xf32>,
      %mul3A_474 = arith.constant 4 : i32
      %mul3A_475 = arith.muli %add3A_443, %mul3A_474 : i32
      %add3A_476 = arith.constant 3 : i32
      %add3A_477 = arith.addi %mul3A_475, %add3A_476 : i32
      %get3A_478 = arith.index_cast %add3A_477 : i32 to index
      %get3A_479 = arith.constant 0 : index
      %get3A_480 = tpu.vector_load %arg4[%get3A_478, %get3A_479] {strides = array<i32>} : memref<256x16xi32, #tpu.memory_space<vmem>>, vector<16xi32>,
      %add3A_481 = arith.constant 12288 : i32
      %add3A_482 = vector.broadcast %add3A_481 : i32 to vector<16xi32>
      %add3A_483 = arith.addi %get3A_480, %add3A_482 : vector<16xi32>
      tpu.vector_store_idx %arg7[%add3A_483], %broadcast_in_dim3A_3 : memref<16384xf32, #tpu.memory_space<vmem>>[vector<16xi32>], vector<16xf32>,
      %mul3A_484 = arith.constant 4 : i32
      %mul3A_485 = arith.muli %add3A_443, %mul3A_484 : i32
      %add3A_486 = arith.addi %mul3A_2, %mul3A_485 : i32
      %mul3A_487 = arith.constant 4096 : i32
      %mul3A_488 = arith.muli %add3A_486, %mul3A_487 : i32
      %dma_start3A_489 = tpu.memref_slice %arg3[%mul3A_488] : memref<33554432xf32, #tpu.memory_space<hbm>> -> memref<16384xf32, #tpu.memory_space<hbm>>
      %dma_start3A_490 = tpu.memref_slice %arg3[%mul3A_488] : memref<33554432xf32, #tpu.memory_space<hbm>> -> memref<16384xf32, #tpu.memory_space<hbm>>
      tpu.enqueue_dma source(%arg7 : memref<16384xf32, #tpu.memory_space<vmem>>) target(%dma_start3A_490 : memref<16384xf32, #tpu.memory_space<hbm>>) target_semaphore(%arg11 : memref<!tpu.dma_semaphore, #tpu.memory_space<semaphore_mem>>)
      %add3A_491 = arith.constant 3 : i32
      %add3A_492 = arith.addi %add3A_191, %add3A_491 : i32
      %sub3A_493 = arith.constant 4 : i32
      %sub3A_494 = arith.subi %add3A_492, %sub3A_493 : i32
      %mul3A_495 = arith.constant 4 : i32
      %mul3A_496 = arith.muli %sub3A_494, %mul3A_495 : i32
      %add3A_497 = arith.addi %mul3A_2, %mul3A_496 : i32
      %mul3A_498 = arith.constant 4096 : i32
      %mul3A_499 = arith.muli %add3A_497, %mul3A_498 : i32
      %dma_wait3A_500 = tpu.memref_slice %arg3[%mul3A_499] : memref<33554432xf32, #tpu.memory_space<hbm>> -> memref<16384xf32, #tpu.memory_space<hbm>>
      %dma_wait3A_501 = tpu.memref_slice %arg3[%mul3A_499] : memref<33554432xf32, #tpu.memory_space<hbm>> -> memref<16384xf32, #tpu.memory_space<hbm>>
      tpu.wait_dma2 semaphore(%arg12 : memref<!tpu.dma_semaphore, #tpu.memory_space<semaphore_mem>>) src(%arg8 : memref<16384xf32, #tpu.memory_space<vmem>>) dst(%dma_wait3A_501 : memref<16384xf32, #tpu.memory_space<hbm>>)
      %mul3A_502 = arith.constant 4 : i32
      %mul3A_503 = arith.muli %sub3A_494, %mul3A_502 : i32
      %add3A_504 = arith.constant 0 : i32
      %add3A_505 = arith.addi %mul3A_503, %add3A_504 : i32
      %get3A_506 = arith.index_cast %add3A_505 : i32 to index
      %get3A_507 = arith.constant 0 : index
      %get3A_508 = tpu.vector_load %arg4[%get3A_506, %get3A_507] {strides = array<i32>} : memref<256x16xi32, #tpu.memory_space<vmem>>, vector<16xi32>,
      %add3A_509 = arith.constant 0 : i32
      %add3A_510 = vector.broadcast %add3A_509 : i32 to vector<16xi32>
      %add3A_511 = arith.addi %get3A_508, %add3A_510 : vector<16xi32>
      tpu.vector_store_idx %arg8[%add3A_511], %broadcast_in_dim3A_5 : memref<16384xf32, #tpu.memory_space<vmem>>[vector<16xi32>], vector<16xf32>,
      %mul3A_512 = arith.constant 4 : i32
      %mul3A_513 = arith.muli %sub3A_494, %mul3A_512 : i32
      %add3A_514 = arith.constant 1 : i32
      %add3A_515 = arith.addi %mul3A_513, %add3A_514 : i32
      %get3A_516 = arith.index_cast %add3A_515 : i32 to index
      %get3A_517 = arith.constant 0 : index
      %get3A_518 = tpu.vector_load %arg4[%get3A_516, %get3A_517] {strides = array<i32>} : memref<256x16xi32, #tpu.memory_space<vmem>>, vector<16xi32>,
      %add3A_519 = arith.constant 4096 : i32
      %add3A_520 = vector.broadcast %add3A_519 : i32 to vector<16xi32>
      %add3A_521 = arith.addi %get3A_518, %add3A_520 : vector<16xi32>
      tpu.vector_store_idx %arg8[%add3A_521], %broadcast_in_dim3A_5 : memref<16384xf32, #tpu.memory_space<vmem>>[vector<16xi32>], vector<16xf32>,
      %mul3A_522 = arith.constant 4 : i32
      %mul3A_523 = arith.muli %sub3A_494, %mul3A_522 : i32
      %add3A_524 = arith.constant 2 : i32
      %add3A_525 = arith.addi %mul3A_523, %add3A_524 : i32
      %get3A_526 = arith.index_cast %add3A_525 : i32 to index
      %get3A_527 = arith.constant 0 : index
      %get3A_528 = tpu.vector_load %arg4[%get3A_526, %get3A_527] {strides = array<i32>} : memref<256x16xi32, #tpu.memory_space<vmem>>, vector<16xi32>,
      %add3A_529 = arith.constant 8192 : i32
      %add3A_530 = vector.broadcast %add3A_529 : i32 to vector<16xi32>
      %add3A_531 = arith.addi %get3A_528, %add3A_530 : vector<16xi32>
      tpu.vector_store_idx %arg8[%add3A_531], %broadcast_in_dim3A_5 : memref<16384xf32, #tpu.memory_space<vmem>>[vector<16xi32>], vector<16xf32>,
      %mul3A_532 = arith.constant 4 : i32
      %mul3A_533 = arith.muli %sub3A_494, %mul3A_532 : i32
      %add3A_534 = arith.constant 3 : i32
      %add3A_535 = arith.addi %mul3A_533, %add3A_534 : i32
      %get3A_536 = arith.index_cast %add3A_535 : i32 to index
      %get3A_537 = arith.constant 0 : index
      %get3A_538 = tpu.vector_load %arg4[%get3A_536, %get3A_537] {strides = array<i32>} : memref<256x16xi32, #tpu.memory_space<vmem>>, vector<16xi32>,
      %add3A_539 = arith.constant 12288 : i32
      %add3A_540 = vector.broadcast %add3A_539 : i32 to vector<16xi32>
      %add3A_541 = arith.addi %get3A_538, %add3A_540 : vector<16xi32>
      tpu.vector_store_idx %arg8[%add3A_541], %broadcast_in_dim3A_5 : memref<16384xf32, #tpu.memory_space<vmem>>[vector<16xi32>], vector<16xf32>,
      %add3A_542 = arith.constant 3 : i32
      %add3A_543 = arith.addi %add3A_191, %add3A_542 : i32
      %mul3A_544 = arith.constant 4 : i32
      %mul3A_545 = arith.muli %add3A_543, %mul3A_544 : i32
      %add3A_546 = arith.constant 0 : i32
      %add3A_547 = arith.addi %mul3A_545, %add3A_546 : i32
      %get3A_548 = arith.index_cast %add3A_547 : i32 to index
      %get3A_549 = arith.constant 0 : index
      %get3A_550 = tpu.vector_load %arg4[%get3A_548, %get3A_549] {strides = array<i32>} : memref<256x16xi32, #tpu.memory_space<vmem>>, vector<16xi32>,
      %add3A_551 = arith.constant 0 : i32
      %add3A_552 = vector.broadcast %add3A_551 : i32 to vector<16xi32>
      %add3A_553 = arith.addi %get3A_550, %add3A_552 : vector<16xi32>
      tpu.vector_store_idx %arg8[%add3A_553], %broadcast_in_dim3A_3 : memref<16384xf32, #tpu.memory_space<vmem>>[vector<16xi32>], vector<16xf32>,
      %mul3A_554 = arith.constant 4 : i32
      %mul3A_555 = arith.muli %add3A_543, %mul3A_554 : i32
      %add3A_556 = arith.constant 1 : i32
      %add3A_557 = arith.addi %mul3A_555, %add3A_556 : i32
      %get3A_558 = arith.index_cast %add3A_557 : i32 to index
      %get3A_559 = arith.constant 0 : index
      %get3A_560 = tpu.vector_load %arg4[%get3A_558, %get3A_559] {strides = array<i32>} : memref<256x16xi32, #tpu.memory_space<vmem>>, vector<16xi32>,
      %add3A_561 = arith.constant 4096 : i32
      %add3A_562 = vector.broadcast %add3A_561 : i32 to vector<16xi32>
      %add3A_563 = arith.addi %get3A_560, %add3A_562 : vector<16xi32>
      tpu.vector_store_idx %arg8[%add3A_563], %broadcast_in_dim3A_3 : memref<16384xf32, #tpu.memory_space<vmem>>[vector<16xi32>], vector<16xf32>,
      %mul3A_564 = arith.constant 4 : i32
      %mul3A_565 = arith.muli %add3A_543, %mul3A_564 : i32
      %add3A_566 = arith.constant 2 : i32
      %add3A_567 = arith.addi %mul3A_565, %add3A_566 : i32
      %get3A_568 = arith.index_cast %add3A_567 : i32 to index
      %get3A_569 = arith.constant 0 : index
      %get3A_570 = tpu.vector_load %arg4[%get3A_568, %get3A_569] {strides = array<i32>} : memref<256x16xi32, #tpu.memory_space<vmem>>, vector<16xi32>,
      %add3A_571 = arith.constant 8192 : i32
      %add3A_572 = vector.broadcast %add3A_571 : i32 to vector<16xi32>
      %add3A_573 = arith.addi %get3A_570, %add3A_572 : vector<16xi32>
      tpu.vector_store_idx %arg8[%add3A_573], %broadcast_in_dim3A_3 : memref<16384xf32, #tpu.memory_space<vmem>>[vector<16xi32>], vector<16xf32>,
      %mul3A_574 = arith.constant 4 : i32
      %mul3A_575 = arith.muli %add3A_543, %mul3A_574 : i32
      %add3A_576 = arith.constant 3 : i32
      %add3A_577 = arith.addi %mul3A_575, %add3A_576 : i32
      %get3A_578 = arith.index_cast %add3A_577 : i32 to index
      %get3A_579 = arith.constant 0 : index
      %get3A_580 = tpu.vector_load %arg4[%get3A_578, %get3A_579] {strides = array<i32>} : memref<256x16xi32, #tpu.memory_space<vmem>>, vector<16xi32>,
      %add3A_581 = arith.constant 12288 : i32
      %add3A_582 = vector.broadcast %add3A_581 : i32 to vector<16xi32>
      %add3A_583 = arith.addi %get3A_580, %add3A_582 : vector<16xi32>
      tpu.vector_store_idx %arg8[%add3A_583], %broadcast_in_dim3A_3 : memref<16384xf32, #tpu.memory_space<vmem>>[vector<16xi32>], vector<16xf32>,
      %mul3A_584 = arith.constant 4 : i32
      %mul3A_585 = arith.muli %add3A_543, %mul3A_584 : i32
      %add3A_586 = arith.addi %mul3A_2, %mul3A_585 : i32
      %mul3A_587 = arith.constant 4096 : i32
      %mul3A_588 = arith.muli %add3A_586, %mul3A_587 : i32
      %dma_start3A_589 = tpu.memref_slice %arg3[%mul3A_588] : memref<33554432xf32, #tpu.memory_space<hbm>> -> memref<16384xf32, #tpu.memory_space<hbm>>
      %dma_start3A_590 = tpu.memref_slice %arg3[%mul3A_588] : memref<33554432xf32, #tpu.memory_space<hbm>> -> memref<16384xf32, #tpu.memory_space<hbm>>
      tpu.enqueue_dma source(%arg8 : memref<16384xf32, #tpu.memory_space<vmem>>) target(%dma_start3A_590 : memref<16384xf32, #tpu.memory_space<hbm>>) target_semaphore(%arg12 : memref<!tpu.dma_semaphore, #tpu.memory_space<semaphore_mem>>)
    }
    %scan3A_163 = arith.constant 15 : i32
    %add3A_164 = arith.constant 240 : i32
    %add3A_165 = arith.addi %mul3A_2, %add3A_164 : i32
    %mul3A_166 = arith.constant 4096 : i32
    %mul3A_167 = arith.muli %add3A_165, %mul3A_166 : i32
    %dma_wait3A = tpu.memref_slice %arg3[%mul3A_167] : memref<33554432xf32, #tpu.memory_space<hbm>> -> memref<16384xf32, #tpu.memory_space<hbm>>
    %dma_wait3A_168 = tpu.memref_slice %arg3[%mul3A_167] : memref<33554432xf32, #tpu.memory_space<hbm>> -> memref<16384xf32, #tpu.memory_space<hbm>>
    tpu.wait_dma2 semaphore(%arg9 : memref<!tpu.dma_semaphore, #tpu.memory_space<semaphore_mem>>) src(%arg5 : memref<16384xf32, #tpu.memory_space<vmem>>) dst(%dma_wait3A_168 : memref<16384xf32, #tpu.memory_space<hbm>>)
    %add3A_169 = arith.constant 244 : i32
    %add3A_170 = arith.addi %mul3A_2, %add3A_169 : i32
    %mul3A_171 = arith.constant 4096 : i32
    %mul3A_172 = arith.muli %add3A_170, %mul3A_171 : i32
    %dma_wait3A_173 = tpu.memref_slice %arg3[%mul3A_172] : memref<33554432xf32, #tpu.memory_space<hbm>> -> memref<16384xf32, #tpu.memory_space<hbm>>
    %dma_wait3A_174 = tpu.memref_slice %arg3[%mul3A_172] : memref<33554432xf32, #tpu.memory_space<hbm>> -> memref<16384xf32, #tpu.memory_space<hbm>>
    tpu.wait_dma2 semaphore(%arg10 : memref<!tpu.dma_semaphore, #tpu.memory_space<semaphore_mem>>) src(%arg6 : memref<16384xf32, #tpu.memory_space<vmem>>) dst(%dma_wait3A_174 : memref<16384xf32, #tpu.memory_space<hbm>>)
    %add3A_175 = arith.constant 248 : i32
    %add3A_176 = arith.addi %mul3A_2, %add3A_175 : i32
    %mul3A_177 = arith.constant 4096 : i32
    %mul3A_178 = arith.muli %add3A_176, %mul3A_177 : i32
    %dma_wait3A_179 = tpu.memref_slice %arg3[%mul3A_178] : memref<33554432xf32, #tpu.memory_space<hbm>> -> memref<16384xf32, #tpu.memory_space<hbm>>
    %dma_wait3A_180 = tpu.memref_slice %arg3[%mul3A_178] : memref<33554432xf32, #tpu.memory_space<hbm>> -> memref<16384xf32, #tpu.memory_space<hbm>>
    tpu.wait_dma2 semaphore(%arg11 : memref<!tpu.dma_semaphore, #tpu.memory_space<semaphore_mem>>) src(%arg7 : memref<16384xf32, #tpu.memory_space<vmem>>) dst(%dma_wait3A_180 : memref<16384xf32, #tpu.memory_space<hbm>>)
    %add3A_181 = arith.constant 252 : i32
    %add3A_182 = arith.addi %mul3A_2, %add3A_181 : i32
    %mul3A_183 = arith.constant 4096 : i32
    %mul3A_184 = arith.muli %add3A_182, %mul3A_183 : i32
    %dma_wait3A_185 = tpu.memref_slice %arg3[%mul3A_184] : memref<33554432xf32, #tpu.memory_space<hbm>> -> memref<16384xf32, #tpu.memory_space<hbm>>
    %dma_wait3A_186 = tpu.memref_slice %arg3[%mul3A_184] : memref<33554432xf32, #tpu.memory_space<hbm>> -> memref<16384xf32, #tpu.memory_space<hbm>>
    tpu.wait_dma2 semaphore(%arg12 : memref<!tpu.dma_semaphore, #tpu.memory_space<semaphore_mem>>) src(%arg8 : memref<16384xf32, #tpu.memory_space<vmem>>) dst(%dma_wait3A_186 : memref<16384xf32, #tpu.memory_space<hbm>>)
    return
  }
}

module attributes {stable_mosaic.version = 14 : i64} {
  func.func @_topk_body(%arg0: i32, %arg1: i32, %arg2: memref<1x256x16xf32, #tpu.memory_space<vmem>>, %arg3: memref<1x4096x16xf32, #tpu.memory_space<vmem>>, %arg4: memref<1x1x256xf32, #tpu.memory_space<vmem>>, %arg5: memref<1x1x4096xf32, #tpu.memory_space<vmem>>, %arg6: memref<256x16xi32, #tpu.memory_space<vmem>>) attributes {dimension_semantics = [#tpu.dimension_semantics<parallel>, #tpu.dimension_semantics<parallel>], iteration_bounds = array<i64: 2, 16>, scalar_prefetch = 0 : i64, scratch_operands = 0 : i64, tpu.core_type = #tpu.core_type<tc>, window_params = [{transform_indices = @transform_0, window_bounds = array<i64: 1, 256, 16>}, {transform_indices = @transform_1, window_bounds = array<i64: 1, 4096, 16>}, {transform_indices = @transform_2, window_bounds = array<i64: 1, 1, 256>}, {transform_indices = @transform_3, window_bounds = array<i64: 1, 1, 4096>}, {transform_indices = @transform_4, window_bounds = array<i64: 256, 16>}]} {
    %get3A = arith.constant 0 : index
    %get3A_0 = arith.constant 0 : index
    %get3A_1 = arith.constant 0 : index
    %get3A_2 = vector.load %arg2[%get3A, %get3A_0, %get3A_1] : memref<1x256x16xf32, #tpu.memory_space<vmem>>, vector<1x256x16xf32>
    %get3A_3 = vector.shape_cast %get3A_2 : vector<1x256x16xf32> to vector<256x16xf32>
    %get3A_4 = arith.constant 0 : index
    %get3A_5 = arith.constant 0 : index
    %get3A_6 = arith.constant 0 : index
    %get3A_7 = vector.load %arg3[%get3A_4, %get3A_5, %get3A_6] : memref<1x4096x16xf32, #tpu.memory_space<vmem>>, vector<1x4096x16xf32>
    %get3A_8 = vector.shape_cast %get3A_7 : vector<1x4096x16xf32> to vector<4096x16xf32>
    %dot_general3A = arith.constant dense<0.000000e+00> : vector<256x4096xf32>
    %dot_general3A_9 = tpu.matmul %get3A_3, %get3A_8, %dot_general3A {dimension_numbers = #tpu.dot_dimension_numbers<[1], [1], [0], [0], [0, 0, 1, 0], [], []>, transpose_lhs_hint = false} : vector<256x16xf32>, vector<4096x16xf32>, vector<256x4096xf32> -> vector<256x4096xf32>
    %get3A_10 = arith.constant 0 : index
    %get3A_11 = arith.constant 0 : index
    %get3A_12 = arith.constant 0 : index
    %get3A_13 = vector.load %arg4[%get3A_10, %get3A_11, %get3A_12] : memref<1x1x256xf32, #tpu.memory_space<vmem>>, vector<1x1x256xf32>
    %get3A_14 = vector.shape_cast %get3A_13 : vector<1x1x256xf32> to vector<1x256xf32>
    %reshape3A = vector.shape_cast %get3A_14 : vector<1x256xf32> to vector<256x1xf32>
    %get3A_15 = arith.constant 0 : index
    %get3A_16 = arith.constant 0 : index
    %get3A_17 = arith.constant 0 : index
    %get3A_18 = vector.load %arg5[%get3A_15, %get3A_16, %get3A_17] : memref<1x1x4096xf32, #tpu.memory_space<vmem>>, vector<1x1x4096xf32>
    %get3A_19 = vector.shape_cast %get3A_18 : vector<1x1x4096xf32> to vector<1x4096xf32>
    %add3A = vector.broadcast %reshape3A : vector<256x1xf32> to vector<256x4096xf32>
    %add3A_20 = vector.broadcast %get3A_19 : vector<1x4096xf32> to vector<256x4096xf32>
    %add3A_21 = arith.addf %add3A, %add3A_20 : vector<256x4096xf32>
    %mul3A = arith.constant 2.000000e+00 : f32
    %mul3A_22 = vector.broadcast %mul3A : f32 to vector<256x4096xf32>
    %mul3A_23 = arith.mulf %mul3A_22, %dot_general3A_9 : vector<256x4096xf32>
    %sub3A = arith.subf %add3A_21, %mul3A_23 : vector<256x4096xf32>
    %max3A = arith.constant 0.000000e+00 : f32
    %max3A_24 = vector.broadcast %max3A : f32 to vector<256x4096xf32>
    %max3A_25 = arith.maximumf %sub3A, %max3A_24 : vector<256x4096xf32>
    %iota3A = tpu.iota {dimensions = array<i32: 1>} : vector<256x4096xi32>
    %convert_element_type3A = arith.sitofp %iota3A : vector<256x4096xi32> to vector<256x4096xf32>
    %reduce_min3A = arith.constant dense<0x7F800000> : vector<256xf32>
    %reduce_min3A_26 = vector.multi_reduction <minimumf>, %max3A_25, %reduce_min3A [1] : vector<256x4096xf32> to vector<256xf32>
    %broadcast_in_dim3A = vector.shape_cast %reduce_min3A_26 : vector<256xf32> to vector<256x1xf32>
    %eq3A = vector.broadcast %broadcast_in_dim3A : vector<256x1xf32> to vector<256x4096xf32>
    %eq3A_27 = arith.cmpf oeq, %max3A_25, %eq3A : vector<256x4096xf32>
    %jit3A = arith.constant 4.096000e+03 : f32
    %broadcast_in_dim3A_28 = vector.broadcast %jit3A : f32 to vector<256x4096xf32>
    %select_n3A = arith.select %eq3A_27, %convert_element_type3A, %broadcast_in_dim3A_28 : vector<256x4096xi1>, vector<256x4096xf32>
    %reduce_min3A_29 = arith.constant dense<0x7F800000> : vector<256xf32>
    %reduce_min3A_30 = vector.multi_reduction <minimumf>, %select_n3A, %reduce_min3A_29 [1] : vector<256x4096xf32> to vector<256xf32>
    %broadcast_in_dim3A_31 = vector.shape_cast %reduce_min3A_30 : vector<256xf32> to vector<256x1xf32>
    %eq3A_32 = vector.broadcast %broadcast_in_dim3A_31 : vector<256x1xf32> to vector<256x4096xf32>
    %eq3A_33 = arith.cmpf oeq, %convert_element_type3A, %eq3A_32 : vector<256x4096xf32>
    %jit3A_34 = arith.constant 1.000000e+30 : f32
    %broadcast_in_dim3A_35 = vector.broadcast %jit3A_34 : f32 to vector<256x4096xf32>
    %select_n3A_36 = arith.select %eq3A_33, %broadcast_in_dim3A_35, %max3A_25 : vector<256x4096xi1>, vector<256x4096xf32>
    %reduce_min3A_37 = arith.constant dense<0x7F800000> : vector<256xf32>
    %reduce_min3A_38 = vector.multi_reduction <minimumf>, %select_n3A_36, %reduce_min3A_37 [1] : vector<256x4096xf32> to vector<256xf32>
    %broadcast_in_dim3A_39 = vector.shape_cast %reduce_min3A_38 : vector<256xf32> to vector<256x1xf32>
    %eq3A_40 = vector.broadcast %broadcast_in_dim3A_39 : vector<256x1xf32> to vector<256x4096xf32>
    %eq3A_41 = arith.cmpf oeq, %select_n3A_36, %eq3A_40 : vector<256x4096xf32>
    %jit3A_42 = arith.constant 4.096000e+03 : f32
    %broadcast_in_dim3A_43 = vector.broadcast %jit3A_42 : f32 to vector<256x4096xf32>
    %select_n3A_44 = arith.select %eq3A_41, %convert_element_type3A, %broadcast_in_dim3A_43 : vector<256x4096xi1>, vector<256x4096xf32>
    %reduce_min3A_45 = arith.constant dense<0x7F800000> : vector<256xf32>
    %reduce_min3A_46 = vector.multi_reduction <minimumf>, %select_n3A_44, %reduce_min3A_45 [1] : vector<256x4096xf32> to vector<256xf32>
    %broadcast_in_dim3A_47 = vector.shape_cast %reduce_min3A_46 : vector<256xf32> to vector<256x1xf32>
    %eq3A_48 = vector.broadcast %broadcast_in_dim3A_47 : vector<256x1xf32> to vector<256x4096xf32>
    %eq3A_49 = arith.cmpf oeq, %convert_element_type3A, %eq3A_48 : vector<256x4096xf32>
    %jit3A_50 = arith.constant 1.000000e+30 : f32
    %broadcast_in_dim3A_51 = vector.broadcast %jit3A_50 : f32 to vector<256x4096xf32>
    %select_n3A_52 = arith.select %eq3A_49, %broadcast_in_dim3A_51, %select_n3A_36 : vector<256x4096xi1>, vector<256x4096xf32>
    %reduce_min3A_53 = arith.constant dense<0x7F800000> : vector<256xf32>
    %reduce_min3A_54 = vector.multi_reduction <minimumf>, %select_n3A_52, %reduce_min3A_53 [1] : vector<256x4096xf32> to vector<256xf32>
    %broadcast_in_dim3A_55 = vector.shape_cast %reduce_min3A_54 : vector<256xf32> to vector<256x1xf32>
    %eq3A_56 = vector.broadcast %broadcast_in_dim3A_55 : vector<256x1xf32> to vector<256x4096xf32>
    %eq3A_57 = arith.cmpf oeq, %select_n3A_52, %eq3A_56 : vector<256x4096xf32>
    %jit3A_58 = arith.constant 4.096000e+03 : f32
    %broadcast_in_dim3A_59 = vector.broadcast %jit3A_58 : f32 to vector<256x4096xf32>
    %select_n3A_60 = arith.select %eq3A_57, %convert_element_type3A, %broadcast_in_dim3A_59 : vector<256x4096xi1>, vector<256x4096xf32>
    %reduce_min3A_61 = arith.constant dense<0x7F800000> : vector<256xf32>
    %reduce_min3A_62 = vector.multi_reduction <minimumf>, %select_n3A_60, %reduce_min3A_61 [1] : vector<256x4096xf32> to vector<256xf32>
    %broadcast_in_dim3A_63 = vector.shape_cast %reduce_min3A_62 : vector<256xf32> to vector<256x1xf32>
    %eq3A_64 = vector.broadcast %broadcast_in_dim3A_63 : vector<256x1xf32> to vector<256x4096xf32>
    %eq3A_65 = arith.cmpf oeq, %convert_element_type3A, %eq3A_64 : vector<256x4096xf32>
    %jit3A_66 = arith.constant 1.000000e+30 : f32
    %broadcast_in_dim3A_67 = vector.broadcast %jit3A_66 : f32 to vector<256x4096xf32>
    %select_n3A_68 = arith.select %eq3A_65, %broadcast_in_dim3A_67, %select_n3A_52 : vector<256x4096xi1>, vector<256x4096xf32>
    %reduce_min3A_69 = arith.constant dense<0x7F800000> : vector<256xf32>
    %reduce_min3A_70 = vector.multi_reduction <minimumf>, %select_n3A_68, %reduce_min3A_69 [1] : vector<256x4096xf32> to vector<256xf32>
    %broadcast_in_dim3A_71 = vector.shape_cast %reduce_min3A_70 : vector<256xf32> to vector<256x1xf32>
    %eq3A_72 = vector.broadcast %broadcast_in_dim3A_71 : vector<256x1xf32> to vector<256x4096xf32>
    %eq3A_73 = arith.cmpf oeq, %select_n3A_68, %eq3A_72 : vector<256x4096xf32>
    %jit3A_74 = arith.constant 4.096000e+03 : f32
    %broadcast_in_dim3A_75 = vector.broadcast %jit3A_74 : f32 to vector<256x4096xf32>
    %select_n3A_76 = arith.select %eq3A_73, %convert_element_type3A, %broadcast_in_dim3A_75 : vector<256x4096xi1>, vector<256x4096xf32>
    %reduce_min3A_77 = arith.constant dense<0x7F800000> : vector<256xf32>
    %reduce_min3A_78 = vector.multi_reduction <minimumf>, %select_n3A_76, %reduce_min3A_77 [1] : vector<256x4096xf32> to vector<256xf32>
    %broadcast_in_dim3A_79 = vector.shape_cast %reduce_min3A_78 : vector<256xf32> to vector<256x1xf32>
    %eq3A_80 = vector.broadcast %broadcast_in_dim3A_79 : vector<256x1xf32> to vector<256x4096xf32>
    %eq3A_81 = arith.cmpf oeq, %convert_element_type3A, %eq3A_80 : vector<256x4096xf32>
    %jit3A_82 = arith.constant 1.000000e+30 : f32
    %broadcast_in_dim3A_83 = vector.broadcast %jit3A_82 : f32 to vector<256x4096xf32>
    %select_n3A_84 = arith.select %eq3A_81, %broadcast_in_dim3A_83, %select_n3A_68 : vector<256x4096xi1>, vector<256x4096xf32>
    %reduce_min3A_85 = arith.constant dense<0x7F800000> : vector<256xf32>
    %reduce_min3A_86 = vector.multi_reduction <minimumf>, %select_n3A_84, %reduce_min3A_85 [1] : vector<256x4096xf32> to vector<256xf32>
    %broadcast_in_dim3A_87 = vector.shape_cast %reduce_min3A_86 : vector<256xf32> to vector<256x1xf32>
    %eq3A_88 = vector.broadcast %broadcast_in_dim3A_87 : vector<256x1xf32> to vector<256x4096xf32>
    %eq3A_89 = arith.cmpf oeq, %select_n3A_84, %eq3A_88 : vector<256x4096xf32>
    %jit3A_90 = arith.constant 4.096000e+03 : f32
    %broadcast_in_dim3A_91 = vector.broadcast %jit3A_90 : f32 to vector<256x4096xf32>
    %select_n3A_92 = arith.select %eq3A_89, %convert_element_type3A, %broadcast_in_dim3A_91 : vector<256x4096xi1>, vector<256x4096xf32>
    %reduce_min3A_93 = arith.constant dense<0x7F800000> : vector<256xf32>
    %reduce_min3A_94 = vector.multi_reduction <minimumf>, %select_n3A_92, %reduce_min3A_93 [1] : vector<256x4096xf32> to vector<256xf32>
    %broadcast_in_dim3A_95 = vector.shape_cast %reduce_min3A_94 : vector<256xf32> to vector<256x1xf32>
    %eq3A_96 = vector.broadcast %broadcast_in_dim3A_95 : vector<256x1xf32> to vector<256x4096xf32>
    %eq3A_97 = arith.cmpf oeq, %convert_element_type3A, %eq3A_96 : vector<256x4096xf32>
    %jit3A_98 = arith.constant 1.000000e+30 : f32
    %broadcast_in_dim3A_99 = vector.broadcast %jit3A_98 : f32 to vector<256x4096xf32>
    %select_n3A_100 = arith.select %eq3A_97, %broadcast_in_dim3A_99, %select_n3A_84 : vector<256x4096xi1>, vector<256x4096xf32>
    %reduce_min3A_101 = arith.constant dense<0x7F800000> : vector<256xf32>
    %reduce_min3A_102 = vector.multi_reduction <minimumf>, %select_n3A_100, %reduce_min3A_101 [1] : vector<256x4096xf32> to vector<256xf32>
    %broadcast_in_dim3A_103 = vector.shape_cast %reduce_min3A_102 : vector<256xf32> to vector<256x1xf32>
    %eq3A_104 = vector.broadcast %broadcast_in_dim3A_103 : vector<256x1xf32> to vector<256x4096xf32>
    %eq3A_105 = arith.cmpf oeq, %select_n3A_100, %eq3A_104 : vector<256x4096xf32>
    %jit3A_106 = arith.constant 4.096000e+03 : f32
    %broadcast_in_dim3A_107 = vector.broadcast %jit3A_106 : f32 to vector<256x4096xf32>
    %select_n3A_108 = arith.select %eq3A_105, %convert_element_type3A, %broadcast_in_dim3A_107 : vector<256x4096xi1>, vector<256x4096xf32>
    %reduce_min3A_109 = arith.constant dense<0x7F800000> : vector<256xf32>
    %reduce_min3A_110 = vector.multi_reduction <minimumf>, %select_n3A_108, %reduce_min3A_109 [1] : vector<256x4096xf32> to vector<256xf32>
    %broadcast_in_dim3A_111 = vector.shape_cast %reduce_min3A_110 : vector<256xf32> to vector<256x1xf32>
    %eq3A_112 = vector.broadcast %broadcast_in_dim3A_111 : vector<256x1xf32> to vector<256x4096xf32>
    %eq3A_113 = arith.cmpf oeq, %convert_element_type3A, %eq3A_112 : vector<256x4096xf32>
    %jit3A_114 = arith.constant 1.000000e+30 : f32
    %broadcast_in_dim3A_115 = vector.broadcast %jit3A_114 : f32 to vector<256x4096xf32>
    %select_n3A_116 = arith.select %eq3A_113, %broadcast_in_dim3A_115, %select_n3A_100 : vector<256x4096xi1>, vector<256x4096xf32>
    %reduce_min3A_117 = arith.constant dense<0x7F800000> : vector<256xf32>
    %reduce_min3A_118 = vector.multi_reduction <minimumf>, %select_n3A_116, %reduce_min3A_117 [1] : vector<256x4096xf32> to vector<256xf32>
    %broadcast_in_dim3A_119 = vector.shape_cast %reduce_min3A_118 : vector<256xf32> to vector<256x1xf32>
    %eq3A_120 = vector.broadcast %broadcast_in_dim3A_119 : vector<256x1xf32> to vector<256x4096xf32>
    %eq3A_121 = arith.cmpf oeq, %select_n3A_116, %eq3A_120 : vector<256x4096xf32>
    %jit3A_122 = arith.constant 4.096000e+03 : f32
    %broadcast_in_dim3A_123 = vector.broadcast %jit3A_122 : f32 to vector<256x4096xf32>
    %select_n3A_124 = arith.select %eq3A_121, %convert_element_type3A, %broadcast_in_dim3A_123 : vector<256x4096xi1>, vector<256x4096xf32>
    %reduce_min3A_125 = arith.constant dense<0x7F800000> : vector<256xf32>
    %reduce_min3A_126 = vector.multi_reduction <minimumf>, %select_n3A_124, %reduce_min3A_125 [1] : vector<256x4096xf32> to vector<256xf32>
    %broadcast_in_dim3A_127 = vector.shape_cast %reduce_min3A_126 : vector<256xf32> to vector<256x1xf32>
    %eq3A_128 = vector.broadcast %broadcast_in_dim3A_127 : vector<256x1xf32> to vector<256x4096xf32>
    %eq3A_129 = arith.cmpf oeq, %convert_element_type3A, %eq3A_128 : vector<256x4096xf32>
    %jit3A_130 = arith.constant 1.000000e+30 : f32
    %broadcast_in_dim3A_131 = vector.broadcast %jit3A_130 : f32 to vector<256x4096xf32>
    %select_n3A_132 = arith.select %eq3A_129, %broadcast_in_dim3A_131, %select_n3A_116 : vector<256x4096xi1>, vector<256x4096xf32>
    %reduce_min3A_133 = arith.constant dense<0x7F800000> : vector<256xf32>
    %reduce_min3A_134 = vector.multi_reduction <minimumf>, %select_n3A_132, %reduce_min3A_133 [1] : vector<256x4096xf32> to vector<256xf32>
    %broadcast_in_dim3A_135 = vector.shape_cast %reduce_min3A_134 : vector<256xf32> to vector<256x1xf32>
    %eq3A_136 = vector.broadcast %broadcast_in_dim3A_135 : vector<256x1xf32> to vector<256x4096xf32>
    %eq3A_137 = arith.cmpf oeq, %select_n3A_132, %eq3A_136 : vector<256x4096xf32>
    %jit3A_138 = arith.constant 4.096000e+03 : f32
    %broadcast_in_dim3A_139 = vector.broadcast %jit3A_138 : f32 to vector<256x4096xf32>
    %select_n3A_140 = arith.select %eq3A_137, %convert_element_type3A, %broadcast_in_dim3A_139 : vector<256x4096xi1>, vector<256x4096xf32>
    %reduce_min3A_141 = arith.constant dense<0x7F800000> : vector<256xf32>
    %reduce_min3A_142 = vector.multi_reduction <minimumf>, %select_n3A_140, %reduce_min3A_141 [1] : vector<256x4096xf32> to vector<256xf32>
    %broadcast_in_dim3A_143 = vector.shape_cast %reduce_min3A_142 : vector<256xf32> to vector<256x1xf32>
    %eq3A_144 = vector.broadcast %broadcast_in_dim3A_143 : vector<256x1xf32> to vector<256x4096xf32>
    %eq3A_145 = arith.cmpf oeq, %convert_element_type3A, %eq3A_144 : vector<256x4096xf32>
    %jit3A_146 = arith.constant 1.000000e+30 : f32
    %broadcast_in_dim3A_147 = vector.broadcast %jit3A_146 : f32 to vector<256x4096xf32>
    %select_n3A_148 = arith.select %eq3A_145, %broadcast_in_dim3A_147, %select_n3A_132 : vector<256x4096xi1>, vector<256x4096xf32>
    %reduce_min3A_149 = arith.constant dense<0x7F800000> : vector<256xf32>
    %reduce_min3A_150 = vector.multi_reduction <minimumf>, %select_n3A_148, %reduce_min3A_149 [1] : vector<256x4096xf32> to vector<256xf32>
    %broadcast_in_dim3A_151 = vector.shape_cast %reduce_min3A_150 : vector<256xf32> to vector<256x1xf32>
    %eq3A_152 = vector.broadcast %broadcast_in_dim3A_151 : vector<256x1xf32> to vector<256x4096xf32>
    %eq3A_153 = arith.cmpf oeq, %select_n3A_148, %eq3A_152 : vector<256x4096xf32>
    %jit3A_154 = arith.constant 4.096000e+03 : f32
    %broadcast_in_dim3A_155 = vector.broadcast %jit3A_154 : f32 to vector<256x4096xf32>
    %select_n3A_156 = arith.select %eq3A_153, %convert_element_type3A, %broadcast_in_dim3A_155 : vector<256x4096xi1>, vector<256x4096xf32>
    %reduce_min3A_157 = arith.constant dense<0x7F800000> : vector<256xf32>
    %reduce_min3A_158 = vector.multi_reduction <minimumf>, %select_n3A_156, %reduce_min3A_157 [1] : vector<256x4096xf32> to vector<256xf32>
    %broadcast_in_dim3A_159 = vector.shape_cast %reduce_min3A_158 : vector<256xf32> to vector<256x1xf32>
    %eq3A_160 = vector.broadcast %broadcast_in_dim3A_159 : vector<256x1xf32> to vector<256x4096xf32>
    %eq3A_161 = arith.cmpf oeq, %convert_element_type3A, %eq3A_160 : vector<256x4096xf32>
    %jit3A_162 = arith.constant 1.000000e+30 : f32
    %broadcast_in_dim3A_163 = vector.broadcast %jit3A_162 : f32 to vector<256x4096xf32>
    %select_n3A_164 = arith.select %eq3A_161, %broadcast_in_dim3A_163, %select_n3A_148 : vector<256x4096xi1>, vector<256x4096xf32>
    %reduce_min3A_165 = arith.constant dense<0x7F800000> : vector<256xf32>
    %reduce_min3A_166 = vector.multi_reduction <minimumf>, %select_n3A_164, %reduce_min3A_165 [1] : vector<256x4096xf32> to vector<256xf32>
    %broadcast_in_dim3A_167 = vector.shape_cast %reduce_min3A_166 : vector<256xf32> to vector<256x1xf32>
    %eq3A_168 = vector.broadcast %broadcast_in_dim3A_167 : vector<256x1xf32> to vector<256x4096xf32>
    %eq3A_169 = arith.cmpf oeq, %select_n3A_164, %eq3A_168 : vector<256x4096xf32>
    %jit3A_170 = arith.constant 4.096000e+03 : f32
    %broadcast_in_dim3A_171 = vector.broadcast %jit3A_170 : f32 to vector<256x4096xf32>
    %select_n3A_172 = arith.select %eq3A_169, %convert_element_type3A, %broadcast_in_dim3A_171 : vector<256x4096xi1>, vector<256x4096xf32>
    %reduce_min3A_173 = arith.constant dense<0x7F800000> : vector<256xf32>
    %reduce_min3A_174 = vector.multi_reduction <minimumf>, %select_n3A_172, %reduce_min3A_173 [1] : vector<256x4096xf32> to vector<256xf32>
    %broadcast_in_dim3A_175 = vector.shape_cast %reduce_min3A_174 : vector<256xf32> to vector<256x1xf32>
    %eq3A_176 = vector.broadcast %broadcast_in_dim3A_175 : vector<256x1xf32> to vector<256x4096xf32>
    %eq3A_177 = arith.cmpf oeq, %convert_element_type3A, %eq3A_176 : vector<256x4096xf32>
    %jit3A_178 = arith.constant 1.000000e+30 : f32
    %broadcast_in_dim3A_179 = vector.broadcast %jit3A_178 : f32 to vector<256x4096xf32>
    %select_n3A_180 = arith.select %eq3A_177, %broadcast_in_dim3A_179, %select_n3A_164 : vector<256x4096xi1>, vector<256x4096xf32>
    %reduce_min3A_181 = arith.constant dense<0x7F800000> : vector<256xf32>
    %reduce_min3A_182 = vector.multi_reduction <minimumf>, %select_n3A_180, %reduce_min3A_181 [1] : vector<256x4096xf32> to vector<256xf32>
    %broadcast_in_dim3A_183 = vector.shape_cast %reduce_min3A_182 : vector<256xf32> to vector<256x1xf32>
    %eq3A_184 = vector.broadcast %broadcast_in_dim3A_183 : vector<256x1xf32> to vector<256x4096xf32>
    %eq3A_185 = arith.cmpf oeq, %select_n3A_180, %eq3A_184 : vector<256x4096xf32>
    %jit3A_186 = arith.constant 4.096000e+03 : f32
    %broadcast_in_dim3A_187 = vector.broadcast %jit3A_186 : f32 to vector<256x4096xf32>
    %select_n3A_188 = arith.select %eq3A_185, %convert_element_type3A, %broadcast_in_dim3A_187 : vector<256x4096xi1>, vector<256x4096xf32>
    %reduce_min3A_189 = arith.constant dense<0x7F800000> : vector<256xf32>
    %reduce_min3A_190 = vector.multi_reduction <minimumf>, %select_n3A_188, %reduce_min3A_189 [1] : vector<256x4096xf32> to vector<256xf32>
    %broadcast_in_dim3A_191 = vector.shape_cast %reduce_min3A_190 : vector<256xf32> to vector<256x1xf32>
    %eq3A_192 = vector.broadcast %broadcast_in_dim3A_191 : vector<256x1xf32> to vector<256x4096xf32>
    %eq3A_193 = arith.cmpf oeq, %convert_element_type3A, %eq3A_192 : vector<256x4096xf32>
    %jit3A_194 = arith.constant 1.000000e+30 : f32
    %broadcast_in_dim3A_195 = vector.broadcast %jit3A_194 : f32 to vector<256x4096xf32>
    %select_n3A_196 = arith.select %eq3A_193, %broadcast_in_dim3A_195, %select_n3A_180 : vector<256x4096xi1>, vector<256x4096xf32>
    %reduce_min3A_197 = arith.constant dense<0x7F800000> : vector<256xf32>
    %reduce_min3A_198 = vector.multi_reduction <minimumf>, %select_n3A_196, %reduce_min3A_197 [1] : vector<256x4096xf32> to vector<256xf32>
    %broadcast_in_dim3A_199 = vector.shape_cast %reduce_min3A_198 : vector<256xf32> to vector<256x1xf32>
    %eq3A_200 = vector.broadcast %broadcast_in_dim3A_199 : vector<256x1xf32> to vector<256x4096xf32>
    %eq3A_201 = arith.cmpf oeq, %select_n3A_196, %eq3A_200 : vector<256x4096xf32>
    %jit3A_202 = arith.constant 4.096000e+03 : f32
    %broadcast_in_dim3A_203 = vector.broadcast %jit3A_202 : f32 to vector<256x4096xf32>
    %select_n3A_204 = arith.select %eq3A_201, %convert_element_type3A, %broadcast_in_dim3A_203 : vector<256x4096xi1>, vector<256x4096xf32>
    %reduce_min3A_205 = arith.constant dense<0x7F800000> : vector<256xf32>
    %reduce_min3A_206 = vector.multi_reduction <minimumf>, %select_n3A_204, %reduce_min3A_205 [1] : vector<256x4096xf32> to vector<256xf32>
    %broadcast_in_dim3A_207 = vector.shape_cast %reduce_min3A_206 : vector<256xf32> to vector<256x1xf32>
    %eq3A_208 = vector.broadcast %broadcast_in_dim3A_207 : vector<256x1xf32> to vector<256x4096xf32>
    %eq3A_209 = arith.cmpf oeq, %convert_element_type3A, %eq3A_208 : vector<256x4096xf32>
    %jit3A_210 = arith.constant 1.000000e+30 : f32
    %broadcast_in_dim3A_211 = vector.broadcast %jit3A_210 : f32 to vector<256x4096xf32>
    %select_n3A_212 = arith.select %eq3A_209, %broadcast_in_dim3A_211, %select_n3A_196 : vector<256x4096xi1>, vector<256x4096xf32>
    %reduce_min3A_213 = arith.constant dense<0x7F800000> : vector<256xf32>
    %reduce_min3A_214 = vector.multi_reduction <minimumf>, %select_n3A_212, %reduce_min3A_213 [1] : vector<256x4096xf32> to vector<256xf32>
    %broadcast_in_dim3A_215 = vector.shape_cast %reduce_min3A_214 : vector<256xf32> to vector<256x1xf32>
    %eq3A_216 = vector.broadcast %broadcast_in_dim3A_215 : vector<256x1xf32> to vector<256x4096xf32>
    %eq3A_217 = arith.cmpf oeq, %select_n3A_212, %eq3A_216 : vector<256x4096xf32>
    %jit3A_218 = arith.constant 4.096000e+03 : f32
    %broadcast_in_dim3A_219 = vector.broadcast %jit3A_218 : f32 to vector<256x4096xf32>
    %select_n3A_220 = arith.select %eq3A_217, %convert_element_type3A, %broadcast_in_dim3A_219 : vector<256x4096xi1>, vector<256x4096xf32>
    %reduce_min3A_221 = arith.constant dense<0x7F800000> : vector<256xf32>
    %reduce_min3A_222 = vector.multi_reduction <minimumf>, %select_n3A_220, %reduce_min3A_221 [1] : vector<256x4096xf32> to vector<256xf32>
    %broadcast_in_dim3A_223 = vector.shape_cast %reduce_min3A_222 : vector<256xf32> to vector<256x1xf32>
    %eq3A_224 = vector.broadcast %broadcast_in_dim3A_223 : vector<256x1xf32> to vector<256x4096xf32>
    %eq3A_225 = arith.cmpf oeq, %convert_element_type3A, %eq3A_224 : vector<256x4096xf32>
    %jit3A_226 = arith.constant 1.000000e+30 : f32
    %broadcast_in_dim3A_227 = vector.broadcast %jit3A_226 : f32 to vector<256x4096xf32>
    %select_n3A_228 = arith.select %eq3A_225, %broadcast_in_dim3A_227, %select_n3A_212 : vector<256x4096xi1>, vector<256x4096xf32>
    %reduce_min3A_229 = arith.constant dense<0x7F800000> : vector<256xf32>
    %reduce_min3A_230 = vector.multi_reduction <minimumf>, %select_n3A_228, %reduce_min3A_229 [1] : vector<256x4096xf32> to vector<256xf32>
    %broadcast_in_dim3A_231 = vector.shape_cast %reduce_min3A_230 : vector<256xf32> to vector<256x1xf32>
    %eq3A_232 = vector.broadcast %broadcast_in_dim3A_231 : vector<256x1xf32> to vector<256x4096xf32>
    %eq3A_233 = arith.cmpf oeq, %select_n3A_228, %eq3A_232 : vector<256x4096xf32>
    %jit3A_234 = arith.constant 4.096000e+03 : f32
    %broadcast_in_dim3A_235 = vector.broadcast %jit3A_234 : f32 to vector<256x4096xf32>
    %select_n3A_236 = arith.select %eq3A_233, %convert_element_type3A, %broadcast_in_dim3A_235 : vector<256x4096xi1>, vector<256x4096xf32>
    %reduce_min3A_237 = arith.constant dense<0x7F800000> : vector<256xf32>
    %reduce_min3A_238 = vector.multi_reduction <minimumf>, %select_n3A_236, %reduce_min3A_237 [1] : vector<256x4096xf32> to vector<256xf32>
    %broadcast_in_dim3A_239 = vector.shape_cast %reduce_min3A_238 : vector<256xf32> to vector<256x1xf32>
    %eq3A_240 = vector.broadcast %broadcast_in_dim3A_239 : vector<256x1xf32> to vector<256x4096xf32>
    %eq3A_241 = arith.cmpf oeq, %convert_element_type3A, %eq3A_240 : vector<256x4096xf32>
    %jit3A_242 = arith.constant 1.000000e+30 : f32
    %broadcast_in_dim3A_243 = vector.broadcast %jit3A_242 : f32 to vector<256x4096xf32>
    %select_n3A_244 = arith.select %eq3A_241, %broadcast_in_dim3A_243, %select_n3A_228 : vector<256x4096xi1>, vector<256x4096xf32>
    %reduce_min3A_245 = arith.constant dense<0x7F800000> : vector<256xf32>
    %reduce_min3A_246 = vector.multi_reduction <minimumf>, %select_n3A_244, %reduce_min3A_245 [1] : vector<256x4096xf32> to vector<256xf32>
    %broadcast_in_dim3A_247 = vector.shape_cast %reduce_min3A_246 : vector<256xf32> to vector<256x1xf32>
    %eq3A_248 = vector.broadcast %broadcast_in_dim3A_247 : vector<256x1xf32> to vector<256x4096xf32>
    %eq3A_249 = arith.cmpf oeq, %select_n3A_244, %eq3A_248 : vector<256x4096xf32>
    %jit3A_250 = arith.constant 4.096000e+03 : f32
    %broadcast_in_dim3A_251 = vector.broadcast %jit3A_250 : f32 to vector<256x4096xf32>
    %select_n3A_252 = arith.select %eq3A_249, %convert_element_type3A, %broadcast_in_dim3A_251 : vector<256x4096xi1>, vector<256x4096xf32>
    %reduce_min3A_253 = arith.constant dense<0x7F800000> : vector<256xf32>
    %reduce_min3A_254 = vector.multi_reduction <minimumf>, %select_n3A_252, %reduce_min3A_253 [1] : vector<256x4096xf32> to vector<256xf32>
    %broadcast_in_dim3A_255 = vector.shape_cast %reduce_min3A_254 : vector<256xf32> to vector<256x1xf32>
    %eq3A_256 = vector.broadcast %broadcast_in_dim3A_255 : vector<256x1xf32> to vector<256x4096xf32>
    %eq3A_257 = arith.cmpf oeq, %convert_element_type3A, %eq3A_256 : vector<256x4096xf32>
    %jit3A_258 = arith.constant 1.000000e+30 : f32
    %broadcast_in_dim3A_259 = vector.broadcast %jit3A_258 : f32 to vector<256x4096xf32>
    %select_n3A_260 = arith.select %eq3A_257, %broadcast_in_dim3A_259, %select_n3A_244 : vector<256x4096xi1>, vector<256x4096xf32>
    %reduce_min3A_261 = arith.constant dense<0x7F800000> : vector<256xf32>
    %reduce_min3A_262 = vector.multi_reduction <minimumf>, %select_n3A_260, %reduce_min3A_261 [1] : vector<256x4096xf32> to vector<256xf32>
    %broadcast_in_dim3A_263 = vector.shape_cast %reduce_min3A_262 : vector<256xf32> to vector<256x1xf32>
    %eq3A_264 = vector.broadcast %broadcast_in_dim3A_263 : vector<256x1xf32> to vector<256x4096xf32>
    %eq3A_265 = arith.cmpf oeq, %select_n3A_260, %eq3A_264 : vector<256x4096xf32>
    %jit3A_266 = arith.constant 4.096000e+03 : f32
    %broadcast_in_dim3A_267 = vector.broadcast %jit3A_266 : f32 to vector<256x4096xf32>
    %select_n3A_268 = arith.select %eq3A_265, %convert_element_type3A, %broadcast_in_dim3A_267 : vector<256x4096xi1>, vector<256x4096xf32>
    %reduce_min3A_269 = arith.constant dense<0x7F800000> : vector<256xf32>
    %reduce_min3A_270 = vector.multi_reduction <minimumf>, %select_n3A_268, %reduce_min3A_269 [1] : vector<256x4096xf32> to vector<256xf32>
    %broadcast_in_dim3A_271 = vector.shape_cast %reduce_min3A_270 : vector<256xf32> to vector<256x1xf32>
    %concatenate3A = tpu.concatenate %broadcast_in_dim3A_31, %broadcast_in_dim3A_47, %broadcast_in_dim3A_63, %broadcast_in_dim3A_79, %broadcast_in_dim3A_95, %broadcast_in_dim3A_111, %broadcast_in_dim3A_127, %broadcast_in_dim3A_143, %broadcast_in_dim3A_159, %broadcast_in_dim3A_175, %broadcast_in_dim3A_191, %broadcast_in_dim3A_207, %broadcast_in_dim3A_223, %broadcast_in_dim3A_239, %broadcast_in_dim3A_255, %broadcast_in_dim3A_271 in 1 : vector<256x1xf32>, vector<256x1xf32>, vector<256x1xf32>, vector<256x1xf32>, vector<256x1xf32>, vector<256x1xf32>, vector<256x1xf32>, vector<256x1xf32>, vector<256x1xf32>, vector<256x1xf32>, vector<256x1xf32>, vector<256x1xf32>, vector<256x1xf32>, vector<256x1xf32>, vector<256x1xf32>, vector<256x1xf32> -> vector<256x16xf32>
    %convert_element_type3A_272 = arith.fptosi %concatenate3A : vector<256x16xf32> to vector<256x16xi32>
    %swap3A = arith.constant 0 : index
    %swap3A_273 = arith.constant 0 : index
    %swap3A_274 = vector.load %arg6[%swap3A, %swap3A_273] : memref<256x16xi32, #tpu.memory_space<vmem>>, vector<256x16xi32>
    tpu.vector_store %arg6[%swap3A, %swap3A_273], %convert_element_type3A_272 {strides = array<i32>} : memref<256x16xi32, #tpu.memory_space<vmem>>, vector<256x16xi32>,
    return
  }
  func.func @transform_0(%arg0: i32, %arg1: i32) -> (i32, i32, i32) {
    %c0_i32 = arith.constant 0 : i32
    %c0_i32_0 = arith.constant 0 : i32
    return %arg0, %arg1, %c0_i32 : i32, i32, i32
  }
  func.func @transform_1(%arg0: i32, %arg1: i32) -> (i32, i32, i32) {
    %c0_i32 = arith.constant 0 : i32
    %c0_i32_0 = arith.constant 0 : i32
    %c0_i32_1 = arith.constant 0 : i32
    return %arg0, %c0_i32, %c0_i32_0 : i32, i32, i32
  }
  func.func @transform_2(%arg0: i32, %arg1: i32) -> (i32, i32, i32) {
    %mul3A = arith.constant 16 : i32
    %mul3A_0 = arith.muli %arg0, %mul3A : i32
    %add3A = arith.addi %mul3A_0, %arg1 : i32
    %c0_i32 = arith.constant 0 : i32
    %c0_i32_1 = arith.constant 0 : i32
    %c0_i32_2 = arith.constant 0 : i32
    return %add3A, %c0_i32, %c0_i32_1 : i32, i32, i32
  }
  func.func @transform_3(%arg0: i32, %arg1: i32) -> (i32, i32, i32) {
    %c0_i32 = arith.constant 0 : i32
    %c0_i32_0 = arith.constant 0 : i32
    %c0_i32_1 = arith.constant 0 : i32
    return %arg0, %c0_i32, %c0_i32_0 : i32, i32, i32
  }
  func.func @transform_4(%arg0: i32, %arg1: i32) -> (i32, i32) {
    %mul3A = arith.constant 16 : i32
    %mul3A_0 = arith.muli %arg0, %mul3A : i32
    %add3A = arith.addi %mul3A_0, %arg1 : i32
    %c0_i32 = arith.constant 0 : i32
    %c0_i32_1 = arith.constant 0 : i32
    return %add3A, %c0_i32 : i32, i32
  }
}

</mosaic_0001>

<sc_bundles>
// kernel: kernel.4.cloned.1.call-start
scs
__scs_entry_jumppad:
0x0: {  	(pc) =	sbr.rel $0x88, $3  }
0x1: {  	(tag) =	ssettag $0x0;
	lr =	simm.s32 $0x1  }
0x2: {  	[smem:$0x3FA0] =	sst lr;
	_ =	strace $0xD0000000  }
0x3: {  	_ = 	snop  }
0x4: {  	_ = 	snop  }
0x5: {  	_ = 	snop  }
0x6: {  	_ = 	snop  }
0x7: {  	_ = 	snop  }
__scs_overlays_trampoline_lowered:
0x8: {  	[smem:$0x3FAF] =	sst s0  }
0x9: {  	[smem:$0x3FB0] =	sst s1  }
0xa: {  	[smem:$0x3FB1] =	sst s2  }
0xb: {  	[smem:$0x3FB2] =	sst s3  }
0xc: {  	[smem:$0x3FB3] =	sst s4  }
0xd: {  	[smem:$0x3FB4] =	sst s5  }
0xe: {  	[smem:$0x3FB5] =	sst s6  }
0xf: {  	[smem:$0x3FB6] =	sst s7  }
0x10: {  	[smem:$0x3FB7] =	sst s8  }
0x11: {  	[smem:$0x3FB8] =	sst s9;
	s0 =	simm.s32 @!p0 $0x0  }
0x12: {  	s1 =	sld [smem:$0x3F9E];
	s0 =	simm.s32 @p0 $0x1  }
0x13: {  	[smem:$0x3FB9] =	sst s0;
	s0 =	simm.s32 @!p1 $0x0  }
0x14: {  	s2 =	sld [smem:$0x3F9D];
	s0 =	simm.s32 @p1 $0x1  }
0x15: {  	[smem:$0x3FBA] =	sst s0;
	s0 =	simm.s32 @!p2 $0x0  }
0x16: {  	s3 =	sld [smem:$0x3FDB];
	s0 =	simm.s32 @p2 $0x1  }
0x17: {  	s4 =	simm.s32 $0x1BF5;
	[smem:$0x3FBC] =	sst s0  }
0x18: {  	s0 =	sld [smem:$0x3F9F];
	_ =	swait.ge [sflag:s4], $0x0  }
0x19: {  	s7 =	sld [smem:$0x3FA0]  }
0x1a: {  	s8 =	sadd.s32 $0xFFFFE003, lr  }
0x1b: {  	s9 =	sadd.s32 $0xFFFFFEF7, lr;
	s5 =	simm.s32 $0xFFFFFFFF;
	p2 =	slt.u32 s8, $0xFFFFF086  }
0x1c: {  	p1 =	slt.u32 s9, $0xF7A;
	s5 =	simm.s32 @!p2 $0x0  }
0x1d: {  	s5 =	simm.s32 @p1 $0x1;
	p0 =	seq.s32 s7, s2  }
0x1e: {  	s7 =	smul.u32 @!p0 $0xF7A, s2;
	p2 =	seq.s32 @!p0 s5, $0x0  }
0x1f: {  	s9 =	smul.u32 $0xF7A, s1;
	s8 =	simm.s32 @!p0 $0x1BF5;
	p2 =	por !p2, p0  }
0x20: {  	[sflag:s8] =	ssyncset.s32 @!p0 $0xFFFFF086;
	s6 =	sadd.s32 @!p0 s3, s7;
	s7 =	simm.s32 @!p0 $0x108  }
0x21: {  	s3 =	sadd.s32 s3, s9;
	s6 =	sadd.s32 @!p0 $0x88, s6;
	s7 =	simm.s32 @p2 $0x1082  }
0x22: {  	[simem:s7], [sflag:s8] =	dma.local @!p0 [hbm:s6], $0xF7A  }
0x23: {  	s9 =	sor.u32 $0xD0000000, s2;
	s6 =	simm.s32 $0x108;
	_ =	swait.ge @!p0 [sflag:s8], $0x0  }
0x24: {  	s3 =	sadd.s32 $0x88, s3;
	s6 =	simm.s32 @!p1 $0x1082;
	[sflag:s4] =	ssyncset.s32 $0xFFFFF086  }
0x25: {  	[simem:s6], [sflag:s4] =	dma.local [hbm:s3], $0xF7A  }
0x26: {  	[smem:$0x3FA0] =	sst s1;
	(tag) =	ssettag s2;
	_ =	strace s9  }
0x27: {  	s1 =	sld [smem:$0x3FB0]  }
0x28: {  	s2 =	sld [smem:$0x3FB1]  }
0x29: {  	s4 =	sld [smem:$0x3FB3]  }
0x2a: {  	p0 =	seq.s32 s5, $0x0;
	s5 =	sld [smem:$0x3FB4]  }
0x2b: {  	s6 =	sld [smem:$0x3FB5]  }
0x2c: {  	s7 =	sld [smem:$0x3FB6]  }
0x2d: {  	s3 =	simm.s32 $0x108;
	s8 =	sld [smem:$0x3FB7]  }
0x2e: {  	s3 =	simm.s32 @!p0 $0x1082;
	s9 =	sld [smem:$0x3FB8]  }
0x2f: {  	lr =	sadd.s32 s0, s3;
	s0 =	sld [smem:$0x3FAF]  }
0x30: {  	s3 =	sld [smem:$0x3FB2]  }
0x31: {  	[smem:$0x3FBB] =	sst s10  }
0x32: {  	s10 =	sld [smem:$0x3FB9];
	_ =	sdelay $0x3  }
0x33: {  	p0 =	seq.s32 s10, $0x1;
	s10 =	sld [smem:$0x3FBB];
	_ =	sdelay $0x3  }
0x34: {  	[smem:$0x3FBB] =	sst s10  }
0x35: {  	s10 =	sld [smem:$0x3FBA];
	_ =	sdelay $0x3  }
0x36: {  	p1 =	seq.s32 s10, $0x1;
	s10 =	sld [smem:$0x3FBB];
	_ =	sdelay $0x3  }
0x37: {  	[smem:$0x3FBB] =	sst s10  }
0x38: {  	s10 =	sld [smem:$0x3FBC]  }
0x39: {  	_ = 	snop;
	(pc) =	sbr.ind lr, $3  }
0x3a: {  	_ = 	snop  }
0x3b: {  	_ = 	snop  }
0x3c: {  	p2 =	seq.s32 s10, $0x1;
	s10 =	sld [smem:$0x3FBB]  }
0x3d: {  	_ =	shalt  }
0x3e: {  	_ =	shalt  }
0x3f: {  	_ =	shalt  }
0x40: {  	_ =	shalt  }
0x41: {  	_ =	shalt  }
0x42: {  	_ =	shalt  }
0x43: {  	_ =	shalt  }
0x44: {  	_ =	shalt  }
0x45: {  	_ =	shalt  }
0x46: {  	_ =	shalt  }
0x47: {  	_ =	shalt  }
0x48: {  	_ =	shalt  }
0x49: {  	_ =	shalt  }
0x4a: {  	_ =	shalt  }
0x4b: {  	_ =	shalt  }
0x4c: {  	_ =	shalt  }
0x4d: {  	_ =	shalt  }
0x4e: {  	_ =	shalt  }
0x4f: {  	_ =	shalt  }
0x50: {  	_ =	shalt  }
0x51: {  	_ =	shalt  }
0x52: {  	_ =	shalt  }
0x53: {  	_ =	shalt  }
0x54: {  	_ =	shalt  }
0x55: {  	_ =	shalt  }
0x56: {  	_ =	shalt  }
0x57: {  	_ =	shalt  }
0x58: {  	_ =	shalt  }
0x59: {  	_ =	shalt  }
0x5a: {  	_ =	shalt  }
0x5b: {  	_ =	shalt  }
0x5c: {  	_ =	shalt  }
0x5d: {  	_ =	shalt  }
0x5e: {  	_ =	shalt  }
0x5f: {  	_ =	shalt  }
0x60: {  	_ =	shalt  }
0x61: {  	_ =	shalt  }
0x62: {  	_ =	shalt  }
0x63: {  	_ =	shalt  }
0x64: {  	_ =	shalt  }
0x65: {  	_ =	shalt  }
0x66: {  	_ =	shalt  }
0x67: {  	_ =	shalt  }
0x68: {  	_ =	shalt  }
0x69: {  	_ =	shalt  }
0x6a: {  	_ =	shalt  }
0x6b: {  	_ =	shalt  }
0x6c: {  	_ =	shalt  }
0x6d: {  	_ =	shalt  }
0x6e: {  	_ =	shalt  }
0x6f: {  	_ =	shalt  }
0x70: {  	_ =	shalt  }
0x71: {  	_ =	shalt  }
0x72: {  	_ =	shalt  }
0x73: {  	_ =	shalt  }
0x74: {  	_ =	shalt  }
0x75: {  	_ =	shalt  }
0x76: {  	_ =	shalt  }
0x77: {  	_ =	shalt  }
0x78: {  	_ =	shalt  }
0x79: {  	_ =	shalt  }
0x7a: {  	_ =	shalt  }
0x7b: {  	_ =	shalt  }
0x7c: {  	_ =	shalt  }
0x7d: {  	_ =	shalt  }
0x7e: {  	_ =	shalt  }
0x7f: {  	_ =	shalt  }
0x80: {  	_ =	shalt  }
0x81: {  	_ =	shalt  }
0x82: {  	_ =	shalt  }
0x83: {  	_ =	shalt  }
0x84: {  	_ =	shalt  }
0x85: {  	_ =	shalt  }
0x86: {  	_ =	shalt  }
0x87: {  	_ =	shalt  }
.Lfunc_end0:
.L_simem_size_0:
called_computation_lowered:
.L_overlay_start_0:
0x88: {  	s2 =	sld [smem:$0x3FD9]  }
0x89: {  	s3 =	sld [smem:$0x3FFE];
	_ =	sdelay $0x1  }
0x8a: {  	s1 =	srdreg.scid  }
0x8b: {  	s0 =	sand.u32 $0x1, s1  }
0x8c: {  	s17 =	sshll.u32 s0, $0xA;
	s2 =	sadd.s32 s3, s2  }
0x8d: {  	s2 =	sadd.s32 s2, s17  }
0x8e: {  	[smem:$0x3FC7] =	sst s2  }
0x8f: {  	_ = 	snop  }
0x90: {  	s2 =	sld [smem:$0x3FD0];
	(tm) =	ssettm $0x1  }
0x91: {  	s18 =	sld [smem:$0x3FFB];
	_ =	sdelay $0x3  }
0x92: {  	_ =	strace s18  }
0x93: {  	s3 =	sld [smem:$0x3FFC];
	_ =	sdelay $0x3  }
0x94: {  	_ =	strace s3  }
0x95: {  	s3 =	sld [smem:$0x3FFD];
	_ =	sdelay $0x3  }
0x96: {  	_ =	strace s3  }
0x97: {  	_ =	strace $0x8FFFFFFF  }
0x98: {  	s19 =	sld [smem:$0x3FDB];
	_ =	sdelay $0x1  }
0x99: {  	s4 =	simm.s32 $_scs_section_size  }
0x9a: {  	s5 =	simm.s32 $_size__tile_overlayer_lowered;
	s6 =	simm.s32 $_tile_overlayer_lowered  }
0x9b: {  	s22 =	simm.s32 $0x1BFF;
	s21 =	sshll.u32 s6, $0x1;
	s3 =	sadd.s32 s4, s19  }
0x9c: {  	s7 =	simm.s32 $0x0;
	s20 =	sshll.u32 s5, $0x1;
	s5 =	sadd.s32 s21, s3  }
0x9d: {  	[timem:s7], [sflag:s22] =	dma.local [hbm:s5], s20  }
0x9e: {  	_ =	swait.ge [sflag:s22], s20  }
0x9f: {  	s4 =	ssub.s32 $0x0, s20;
	[sflag:s22] =	ssyncset.done $0x0  }
0xa0: {  	[sflag:s22] =	ssyncadd.s32 s4;
	_ =	sdelay $0x1  }
0xa1: {  	s23 =	simm.s32 $0x1B8B  }
0xa2: {  	_ =	swait.ge [sflag:s23], $0x1  }
0xa3: {  	[sflag:s23] =	ssyncset.done $0x0  }
0xa4: {  	s25 =	simm.s32 $0x1B8E;
	s24 =	sld [smem:$0x3FFE];
	[sflag:s23] =	ssyncadd.s32 $0xFFFFFFFF  }
0xa5: {  	s26 =	simm.s32 $execute0_lowered;
	[smem:$0x3FD2] =	sst s25  }
0xa6: {  	s5 =	sshll.u32 s26, $0x1;
	_ =	strace $0x80000046;
	[dreg:$0x1] =	wrdreg $0xFFFFFFFF  }
0xa7: {  	s28 =	simm.s32 $_size_execute0_lowered;
	s3 =	sadd.s32 s3, s5;
	[dreg:$0x0] =	wrdreg $0x0  }
0xa8: {  	s5 =	sshll.u32 s28, $0x1;
	[dreg:$0x2] =	wrdreg s3  }
0xa9: {  	[dreg:$0x3] =	wrdreg s5  }
0xaa: {  	[dreg:$0x4] =	wrdreg $0xC0  }
0xab: {  	_ =	task [dreg:s7], $0x5FFFF  }
0xac: {  	[dreg:$0x1] =	wrdreg $0xFFFFFFFF  }
0xad: {  	[dreg:$0x0] =	wrdreg $0x60  }
0xae: {  	[dreg:$0x2] =	wrdreg s2  }
0xaf: {  	[dreg:$0x3] =	wrdreg s24  }
0xb0: {  	[dreg:$0x4] =	wrdreg $0x9  }
0xb1: {  	_ =	task.clear_ibuf [dreg:s7], $0x5FFFF;
	_ =	strace $0x90000046  }
0xb2: {  	s29 =	simm.s32 $0x9;
	_ =	strace $0x80000048  }
0xb3: {  	_ =	swait.ge [sflag:s29], $0x1  }
0xb4: {  	[sflag:s29] =	ssyncadd.s32 $0xFFFFFFFF  }
0xb5: {  	_ =	strace $0x90000048  }
0xb6: {  	_ =	sfence  }
0xb7: {  	s30 =	sld [smem:$0x0];
	_ =	sdelay $0x2  }
0xb8: {  	s31 =	sshll.u32 s1, $0xD;
	s1 =	sshrl.u32 s1, $0x2  }
0xb9: {  	s3 =	sand.u32 $0x4000, s31;
	s1 =	sadd.s32 s1, s30  }
0xba: {  	s0 =	sor.u32 s3, s0;
	s1 =	sshll.u32 s1, $0x11  }
0xbb: {  	s0 =	sor.u32 s1, s0  }
0xbc: {  	s0 =	sadd.s32 $0x8F2B, s0  }
0xbd: {  	[sflag:s0] =	ssyncadd.remote.s32 $0x1  }
0xbe: {  	_ =	sfence.sel $0xFFFF  }
0xbf: {  	[dreg:$0x0] =	wrdreg $0xFFFFFFFF;
	(pc) =	sbr.abs _section_cstart, $3  }
0xc0: {  	[dreg:$0x1] =	wrdreg $0xFFFFFFFF  }
0xc1: {  	_ =	task.clear_ibuf [dreg:s7], $0x2FFFF;
	_ =	strace $0x9FFFFFFF  }
0xc2: {  	(tm) =	ssettm $0x7FFFFFFF  }
0xc3: {  	_ =	shalt  }
tec
execute0_lowered:
.L_overlay_start_1:
0x0: {  	(tag) =	ssettag $0x1  }
0x1: {  	s4 =	rddreg [dreg:$0x0]  }
0x2: {  	s3 =	rddreg [dreg:$0x1]  }
0x3: {  	s0 =	rddreg [dreg:$0x2];
	s2 =	simm.s32 $0x0;
	s5 =	srdreg.scid  }
0x4: {  	s1 =	stileid.u32;
	s13 =	simm.s32 $0x5;
	s14 =	simm.s32 $0x8000  }
0x5: {  	s15 =	simm.s32 $0xC000;
	s16 =	simm.s32 $0x10000;
	s17 =	simm.s32 $0x14000  }
0x6: {  	s18 =	simm.s32 $0x1;
	s19 =	simm.s32 $0x2;
	s20 =	simm.s32 $0x3  }
0x7: {  	s21 =	simm.s32 $0x4;
	s22 =	simm.s32 $0x0;
	[smem:$0x7FF] =	sst s2  }
0x8: {  	s5 =	sand.u32 $0x1, s5;
	s7 =	sshll.u32 s1, $0x1;
	s8 =	sadd.s32 $0x200, s3  }
0x9: {  	s31 =	sshll.u32 s1, $0x12;
	_ =	strace $0x80000047;
	s6 =	ssub.s32 $0x2, s5  }
0xa: {  	s7 =	sor.u32 s5, s7;
	s10 =	sshll.u32 s5, $0x11;
	s28 =	sshrl.u32 s6, $0x1  }
0xb: {  	s29 =	sshll.u32 s7, $0xC;
	s30 =	sshll.u32 s7, $0x11;
	s10 =	sor.u32 s10, s31  }
0xc: {  	s9 =	ssub.s32 s6, s28;
	s3 =	sadd.s32 s8, s30;
	s4 =	sadd.s32 s4, s29  }
0xd: {  	s12 =	sadd.s32 s10, s8;
	s5 =	sadd.s32 $0x800, s3;
	s6 =	sadd.s32 $0x1000, s3  }
0xe: {  	s7 =	sadd.s32 $0x1800, s3;
	s8 =	smax.u32 s9, $0x1;
	s9 =	sadd.s32 $0x3800, s12  }
0xf: {  	v0 =	vimm.f32 $0.0e+00;
	v1 =	vimm.f32 $1.000000000e+00;
	s10 =	sadd.s32 $0x2000, s12;
	s11 =	sadd.s32 $0x2800, s12;
	s12 =	sadd.s32 $0x3000, s12  }
.LBB2_1:
0x10: {  	s23 =	simm.s32 $0x40;
	s24 =	simm.s32 $0x0  }
.LBB2_2:
0x11: {  	p0 =	sne.s32 s23, $0xFFC0;
	[tilespmem:s24+$0x8000] =	vst v0;
	s24 =	smov.u32 s23;
	s23 =	sadd.s32 $0x40, s23  }
.Ltmp0:
0x12: {  	(pc) =	sbr.rel @p0 .LBB2_2-.Ltmp0, $2  }
0x13: {  	_ =	sdelay $0x2  }
0x14: {  	s24 =	sshra.s32 s24, $0x2  }
0x15: {  	[tilespmem:s24+$0x8000] =	vst v0;
	s23 =	simm.s32 $0x0;
	s24 =	simm.s32 $0x40;
	s25 =	simm.s32 $0x0  }
.LBB2_4:
0x16: {  	p0 =	sne.s32 s24, $0xFFC0;
	[tilespmem:s25+$0xC000] =	vst v0;
	s25 =	smov.u32 s24;
	s24 =	sadd.s32 $0x40, s24  }
.Ltmp1:
0x17: {  	(pc) =	sbr.rel @p0 .LBB2_4-.Ltmp1, $2  }
0x18: {  	_ =	sdelay $0x2  }
0x19: {  	s25 =	sshra.s32 s25, $0x2  }
0x1a: {  	[tilespmem:s25+$0xC000] =	vst v0  }
.LBB2_6:
0x1b: {  	p0 =	sne.s32 s23, $0xFFC0  }
.Ltmp2:
0x1c: {  	_ = 	snop;
	(pc) =	sbr.rel @p0 .LBB2_6-.Ltmp2, $3  }
0x1d: {  	_ =	sdelay $0x1  }
0x1e: {  	s24 =	sshra.s32 s23, $0x2  }
0x1f: {  	s23 =	sadd.s32 $0x40, s23;
	[tilespmem:s24+$0x10000] =	vst v0  }
0x20: {  	s23 =	simm.s32 $0x40;
	s24 =	simm.s32 $0x0  }
.LBB2_8:
0x21: {  	p0 =	sne.s32 s23, $0xFFC0;
	[tilespmem:s24+$0x14000] =	vst v0;
	s24 =	smov.u32 s23;
	s23 =	sadd.s32 $0x40, s23  }
.Ltmp3:
0x22: {  	(pc) =	sbr.rel @p0 .LBB2_8-.Ltmp3, $2  }
0x23: {  	_ =	sdelay $0x2  }
0x24: {  	s24 =	sshra.s32 s24, $0x2  }
0x25: {  	[tilespmem:s24+$0x14000] =	vst v0;
	s23 =	simm.s32 $0x0  }
0x26: {  	[tilespmem:s23], [sflag:$0x5] =	stream.linear.gather [hbm4b:s4+s23], $0x8000, $0x38;
	[tilespmem:$0x18000] =	vst v63  }
0x27: {  	_ =	swait.ge [sflag:s13], $0x8000  }
0x28: {  	[sflag:s13] =	ssyncset.done $0x0  }
0x29: {  	[sflag:s13] =	ssyncadd.s32 $0xFFFF8000  }
0x2a: {  	v2 =	vld [tilespmem:$0x0];
	_ =	sdelay $0x7  }
0x2b: {  	[tilespmem:v2+s14+$0x0] =	vst.idx.msk $0xffff, v1  }
0x2c: {  	v2 =	vld [tilespmem:$0x80];
	_ =	sdelay $0x4  }
0x2d: {  	v2 =	vadd.s32 $0x1000, v2;
	_ =	sdelay $0x4  }
0x2e: {  	[tilespmem:v2+s14+$0x0] =	vst.idx.msk $0xffff, v1  }
0x2f: {  	v2 =	vld [tilespmem:$0x100];
	_ =	sdelay $0x4  }
0x30: {  	v2 =	vadd.s32 $0x2000, v2;
	_ =	sdelay $0x4  }
0x31: {  	[tilespmem:v2+s14+$0x0] =	vst.idx.msk $0xffff, v1  }
0x32: {  	v2 =	vld [tilespmem:$0x180];
	_ =	sdelay $0x4  }
0x33: {  	v2 =	vadd.s32 $0x3000, v2;
	_ =	sdelay $0x4  }
0x34: {  	[tilespmem:v2+s14+$0x0] =	vst.idx.msk $0xffff, v1  }
0x35: {  	[hbm4b:s3+s23] =	stream.linear.scatter [tilespmem:s14], [sflag:$0x1], $0x4000, $0x38;
	[tilespmem:$0x18000] =	vst v63  }
0x36: {  	v2 =	vld [tilespmem:$0x200];
	_ =	sdelay $0x7  }
0x37: {  	[tilespmem:v2+s15+$0x0] =	vst.idx.msk $0xffff, v1  }
0x38: {  	v2 =	vld [tilespmem:$0x280];
	_ =	sdelay $0x4  }
0x39: {  	v2 =	vadd.s32 $0x1000, v2;
	_ =	sdelay $0x4  }
0x3a: {  	[tilespmem:v2+s15+$0x0] =	vst.idx.msk $0xffff, v1  }
0x3b: {  	v2 =	vld [tilespmem:$0x300];
	_ =	sdelay $0x4  }
0x3c: {  	v2 =	vadd.s32 $0x2000, v2;
	_ =	sdelay $0x4  }
0x3d: {  	[tilespmem:v2+s15+$0x0] =	vst.idx.msk $0xffff, v1  }
0x3e: {  	v2 =	vld [tilespmem:$0x380];
	_ =	sdelay $0x4  }
0x3f: {  	v2 =	vadd.s32 $0x3000, v2;
	_ =	sdelay $0x4  }
0x40: {  	[tilespmem:v2+s15+$0x0] =	vst.idx.msk $0xffff, v1  }
0x41: {  	[hbm4b:s5+s23] =	stream.linear.scatter [tilespmem:s15], [sflag:$0x2], $0x4000, $0x38;
	[tilespmem:$0x18000] =	vst v63  }
0x42: {  	v2 =	vld [tilespmem:$0x400];
	_ =	sdelay $0x7  }
0x43: {  	[tilespmem:v2+s16+$0x0] =	vst.idx.msk $0xffff, v1  }
0x44: {  	v2 =	vld [tilespmem:$0x480];
	_ =	sdelay $0x4  }
0x45: {  	v2 =	vadd.s32 $0x1000, v2;
	_ =	sdelay $0x4  }
0x46: {  	[tilespmem:v2+s16+$0x0] =	vst.idx.msk $0xffff, v1  }
0x47: {  	v2 =	vld [tilespmem:$0x500];
	_ =	sdelay $0x4  }
0x48: {  	v2 =	vadd.s32 $0x2000, v2;
	_ =	sdelay $0x4  }
0x49: {  	[tilespmem:v2+s16+$0x0] =	vst.idx.msk $0xffff, v1  }
0x4a: {  	v2 =	vld [tilespmem:$0x580];
	_ =	sdelay $0x4  }
0x4b: {  	v2 =	vadd.s32 $0x3000, v2;
	_ =	sdelay $0x4  }
0x4c: {  	[tilespmem:v2+s16+$0x0] =	vst.idx.msk $0xffff, v1  }
0x4d: {  	[hbm4b:s6+s23] =	stream.linear.scatter [tilespmem:s16], [sflag:$0x3], $0x4000, $0x38;
	[tilespmem:$0x18000] =	vst v63  }
0x4e: {  	v2 =	vld [tilespmem:$0x600];
	_ =	sdelay $0x7  }
0x4f: {  	[tilespmem:v2+s17+$0x0] =	vst.idx.msk $0xffff, v1  }
0x50: {  	v2 =	vld [tilespmem:$0x680];
	_ =	sdelay $0x4  }
0x51: {  	v2 =	vadd.s32 $0x1000, v2;
	_ =	sdelay $0x4  }
0x52: {  	[tilespmem:v2+s17+$0x0] =	vst.idx.msk $0xffff, v1  }
0x53: {  	v2 =	vld [tilespmem:$0x700];
	_ =	sdelay $0x4  }
0x54: {  	v2 =	vadd.s32 $0x2000, v2;
	_ =	sdelay $0x4  }
0x55: {  	[tilespmem:v2+s17+$0x0] =	vst.idx.msk $0xffff, v1  }
0x56: {  	v2 =	vld [tilespmem:$0x780];
	_ =	sdelay $0x4  }
0x57: {  	v2 =	vadd.s32 $0x3000, v2;
	_ =	sdelay $0x4  }
0x58: {  	[tilespmem:v2+s17+$0x0] =	vst.idx.msk $0xffff, v1  }
0x59: {  	[hbm4b:s7+s23] =	stream.linear.scatter [tilespmem:s17], [sflag:$0x4], $0x4000, $0x38;
	[tilespmem:$0x18000] =	vst v63  }
.LBB2_10:
0x5a: {  	_ =	swait.ge [sflag:s18], $0x4000  }
0x5b: {  	[sflag:s18] =	ssyncset.done $0x0  }
0x5c: {  	s24 =	sshra.s32 s23, $0x2;
	[sflag:s18] =	ssyncadd.s32 $0xFFFFC000  }
0x5d: {  	v2 =	vld [tilespmem:s24+$0x0];
	_ =	sdelay $0x7  }
0x5e: {  	[tilespmem:v2+s14+$0x0] =	vst.idx.msk $0xffff, v0  }
0x5f: {  	v2 =	vld [tilespmem:s24+$0x80];
	_ =	sdelay $0x4  }
0x60: {  	v2 =	vadd.s32 $0x1000, v2;
	_ =	sdelay $0x4  }
0x61: {  	[tilespmem:v2+s14+$0x0] =	vst.idx.msk $0xffff, v0  }
0x62: {  	v2 =	vld [tilespmem:s24+$0x100];
	_ =	sdelay $0x4  }
0x63: {  	v2 =	vadd.s32 $0x2000, v2;
	_ =	sdelay $0x4  }
0x64: {  	[tilespmem:v2+s14+$0x0] =	vst.idx.msk $0xffff, v0  }
0x65: {  	v2 =	vld [tilespmem:s24+$0x180];
	_ =	sdelay $0x4  }
0x66: {  	v2 =	vadd.s32 $0x3000, v2;
	_ =	sdelay $0x4  }
0x67: {  	[tilespmem:v2+s14+$0x0] =	vst.idx.msk $0xffff, v0  }
0x68: {  	v2 =	vld [tilespmem:s24+$0x800];
	_ =	sdelay $0x7  }
0x69: {  	[tilespmem:v2+s14+$0x0] =	vst.idx.msk $0xffff, v1  }
0x6a: {  	v2 =	vld [tilespmem:s24+$0x880];
	_ =	sdelay $0x4  }
0x6b: {  	v2 =	vadd.s32 $0x1000, v2;
	_ =	sdelay $0x4  }
0x6c: {  	[tilespmem:v2+s14+$0x0] =	vst.idx.msk $0xffff, v1  }
0x6d: {  	v2 =	vld [tilespmem:s24+$0x900];
	_ =	sdelay $0x4  }
0x6e: {  	v2 =	vadd.s32 $0x2000, v2;
	_ =	sdelay $0x4  }
0x6f: {  	[tilespmem:v2+s14+$0x0] =	vst.idx.msk $0xffff, v1  }
0x70: {  	v2 =	vld [tilespmem:s24+$0x980];
	_ =	sdelay $0x4  }
0x71: {  	v2 =	vadd.s32 $0x3000, v2;
	_ =	sdelay $0x4  }
0x72: {  	s25 =	sadd.s32 s23, s10;
	[tilespmem:v2+s14+$0x0] =	vst.idx.msk $0xffff, v1  }
0x73: {  	[hbm4b:s25+s2] =	stream.linear.scatter [tilespmem:s14], [sflag:$0x1], $0x4000, $0x38;
	[tilespmem:$0x18000] =	vst v63  }
0x74: {  	_ =	swait.ge [sflag:s19], $0x4000  }
0x75: {  	[sflag:s19] =	ssyncset.done $0x0  }
0x76: {  	[sflag:s19] =	ssyncadd.s32 $0xFFFFC000  }
0x77: {  	v2 =	vld [tilespmem:s24+$0x200];
	_ =	sdelay $0x7  }
0x78: {  	[tilespmem:v2+s15+$0x0] =	vst.idx.msk $0xffff, v0  }
0x79: {  	v2 =	vld [tilespmem:s24+$0x280];
	_ =	sdelay $0x4  }
0x7a: {  	v2 =	vadd.s32 $0x1000, v2;
	_ =	sdelay $0x4  }
0x7b: {  	[tilespmem:v2+s15+$0x0] =	vst.idx.msk $0xffff, v0  }
0x7c: {  	v2 =	vld [tilespmem:s24+$0x300];
	_ =	sdelay $0x4  }
0x7d: {  	v2 =	vadd.s32 $0x2000, v2;
	_ =	sdelay $0x4  }
0x7e: {  	[tilespmem:v2+s15+$0x0] =	vst.idx.msk $0xffff, v0  }
0x7f: {  	v2 =	vld [tilespmem:s24+$0x380];
	_ =	sdelay $0x4  }
0x80: {  	v2 =	vadd.s32 $0x3000, v2;
	_ =	sdelay $0x4  }
0x81: {  	[tilespmem:v2+s15+$0x0] =	vst.idx.msk $0xffff, v0  }
0x82: {  	v2 =	vld [tilespmem:s24+$0xA00];
	_ =	sdelay $0x7  }
0x83: {  	[tilespmem:v2+s15+$0x0] =	vst.idx.msk $0xffff, v1  }
0x84: {  	v2 =	vld [tilespmem:s24+$0xA80];
	_ =	sdelay $0x4  }
0x85: {  	v2 =	vadd.s32 $0x1000, v2;
	_ =	sdelay $0x4  }
0x86: {  	[tilespmem:v2+s15+$0x0] =	vst.idx.msk $0xffff, v1  }
0x87: {  	v2 =	vld [tilespmem:s24+$0xB00];
	_ =	sdelay $0x4  }
0x88: {  	v2 =	vadd.s32 $0x2000, v2;
	_ =	sdelay $0x4  }
0x89: {  	[tilespmem:v2+s15+$0x0] =	vst.idx.msk $0xffff, v1  }
0x8a: {  	v2 =	vld [tilespmem:s24+$0xB80];
	_ =	sdelay $0x4  }
0x8b: {  	v2 =	vadd.s32 $0x3000, v2;
	_ =	sdelay $0x4  }
0x8c: {  	s29 =	sadd.s32 s23, s11;
	[tilespmem:v2+s15+$0x0] =	vst.idx.msk $0xffff, v1  }
0x8d: {  	[hbm4b:s29+s2] =	stream.linear.scatter [tilespmem:s15], [sflag:$0x2], $0x4000, $0x38;
	[tilespmem:$0x18000] =	vst v63  }
0x8e: {  	_ =	swait.ge [sflag:s20], $0x4000  }
0x8f: {  	[sflag:s20] =	ssyncset.done $0x0  }
0x90: {  	[sflag:s20] =	ssyncadd.s32 $0xFFFFC000  }
0x91: {  	v2 =	vld [tilespmem:s24+$0x400];
	_ =	sdelay $0x7  }
0x92: {  	[tilespmem:v2+s16+$0x0] =	vst.idx.msk $0xffff, v0  }
0x93: {  	v2 =	vld [tilespmem:s24+$0x480];
	_ =	sdelay $0x4  }
0x94: {  	v2 =	vadd.s32 $0x1000, v2;
	_ =	sdelay $0x4  }
0x95: {  	[tilespmem:v2+s16+$0x0] =	vst.idx.msk $0xffff, v0  }
0x96: {  	v2 =	vld [tilespmem:s24+$0x500];
	_ =	sdelay $0x4  }
0x97: {  	v2 =	vadd.s32 $0x2000, v2;
	_ =	sdelay $0x4  }
0x98: {  	[tilespmem:v2+s16+$0x0] =	vst.idx.msk $0xffff, v0  }
0x99: {  	v2 =	vld [tilespmem:s24+$0x580];
	_ =	sdelay $0x4  }
0x9a: {  	v2 =	vadd.s32 $0x3000, v2;
	_ =	sdelay $0x4  }
0x9b: {  	[tilespmem:v2+s16+$0x0] =	vst.idx.msk $0xffff, v0  }
0x9c: {  	v2 =	vld [tilespmem:s24+$0xC00];
	_ =	sdelay $0x7  }
0x9d: {  	[tilespmem:v2+s16+$0x0] =	vst.idx.msk $0xffff, v1  }
0x9e: {  	v2 =	vld [tilespmem:s24+$0xC80];
	_ =	sdelay $0x4  }
0x9f: {  	v2 =	vadd.s32 $0x1000, v2;
	_ =	sdelay $0x4  }
0xa0: {  	[tilespmem:v2+s16+$0x0] =	vst.idx.msk $0xffff, v1  }
0xa1: {  	v2 =	vld [tilespmem:s24+$0xD00];
	_ =	sdelay $0x4  }
0xa2: {  	v2 =	vadd.s32 $0x2000, v2;
	_ =	sdelay $0x4  }
0xa3: {  	[tilespmem:v2+s16+$0x0] =	vst.idx.msk $0xffff, v1  }
0xa4: {  	v2 =	vld [tilespmem:s24+$0xD80];
	_ =	sdelay $0x4  }
0xa5: {  	v2 =	vadd.s32 $0x3000, v2;
	_ =	sdelay $0x4  }
0xa6: {  	s30 =	sadd.s32 s23, s12;
	[tilespmem:v2+s16+$0x0] =	vst.idx.msk $0xffff, v1  }
0xa7: {  	[hbm4b:s30+s2] =	stream.linear.scatter [tilespmem:s16], [sflag:$0x3], $0x4000, $0x38;
	[tilespmem:$0x18000] =	vst v63  }
0xa8: {  	_ =	swait.ge [sflag:s21], $0x4000  }
0xa9: {  	[sflag:s21] =	ssyncset.done $0x0  }
0xaa: {  	[sflag:s21] =	ssyncadd.s32 $0xFFFFC000  }
0xab: {  	v2 =	vld [tilespmem:s24+$0x600];
	_ =	sdelay $0x7  }
0xac: {  	[tilespmem:v2+s17+$0x0] =	vst.idx.msk $0xffff, v0  }
0xad: {  	v2 =	vld [tilespmem:s24+$0x680];
	_ =	sdelay $0x4  }
0xae: {  	v2 =	vadd.s32 $0x1000, v2;
	_ =	sdelay $0x4  }
0xaf: {  	[tilespmem:v2+s17+$0x0] =	vst.idx.msk $0xffff, v0  }
0xb0: {  	v2 =	vld [tilespmem:s24+$0x700];
	_ =	sdelay $0x4  }
0xb1: {  	v2 =	vadd.s32 $0x2000, v2;
	_ =	sdelay $0x4  }
0xb2: {  	[tilespmem:v2+s17+$0x0] =	vst.idx.msk $0xffff, v0  }
0xb3: {  	v2 =	vld [tilespmem:s24+$0x780];
	_ =	sdelay $0x4  }
0xb4: {  	v2 =	vadd.s32 $0x3000, v2;
	_ =	sdelay $0x4  }
0xb5: {  	[tilespmem:v2+s17+$0x0] =	vst.idx.msk $0xffff, v0  }
0xb6: {  	v2 =	vld [tilespmem:s24+$0xE00];
	_ =	sdelay $0x7  }
0xb7: {  	[tilespmem:v2+s17+$0x0] =	vst.idx.msk $0xffff, v1  }
0xb8: {  	v2 =	vld [tilespmem:s24+$0xE80];
	_ =	sdelay $0x4  }
0xb9: {  	v2 =	vadd.s32 $0x1000, v2;
	_ =	sdelay $0x4  }
0xba: {  	[tilespmem:v2+s17+$0x0] =	vst.idx.msk $0xffff, v1  }
0xbb: {  	v2 =	vld [tilespmem:s24+$0xF00];
	_ =	sdelay $0x4  }
0xbc: {  	v2 =	vadd.s32 $0x2000, v2;
	_ =	sdelay $0x4  }
0xbd: {  	[tilespmem:v2+s17+$0x0] =	vst.idx.msk $0xffff, v1  }
0xbe: {  	v2 =	vld [tilespmem:s24+$0xF80];
	_ =	sdelay $0x4  }
0xbf: {  	v2 =	vadd.s32 $0x3000, v2  }
0xc0: {  	p0 =	sne.s32 s23, $0x1C000  }
.Ltmp4:
0xc1: {  	_ = 	snop;
	(pc) =	sbr.rel @p0 .LBB2_10-.Ltmp4, $3  }
0xc2: {  	_ =	sdelay $0x1  }
0xc3: {  	s31 =	sadd.s32 s23, s9;
	s23 =	sadd.s32 $0x2000, s23;
	[tilespmem:v2+s17+$0x0] =	vst.idx.msk $0xffff, v1  }
0xc4: {  	[hbm4b:s31+s2] =	stream.linear.scatter [tilespmem:s17], [sflag:$0x4], $0x4000, $0x38;
	[tilespmem:$0x18000] =	vst v63  }
0xc5: {  	_ =	swait.ge [sflag:s18], $0x4000  }
0xc6: {  	[sflag:s18] =	ssyncset.done $0x0  }
0xc7: {  	[sflag:s18] =	ssyncadd.s32 $0xFFFFC000  }
0xc8: {  	_ =	swait.ge [sflag:s19], $0x4000  }
0xc9: {  	[sflag:s19] =	ssyncset.done $0x0  }
0xca: {  	s22 =	sadd.s32 $0x1, s22;
	[sflag:s19] =	ssyncadd.s32 $0xFFFFC000  }
0xcb: {  	p0 =	sne.s32 s22, s8;
	_ =	swait.ge [sflag:s20], $0x4000  }
.Ltmp5:
0xcc: {  	[sflag:s20] =	ssyncset.done $0x0;
	(pc) =	sbr.rel @p0 .LBB2_1-.Ltmp5, $4  }
0xcd: {  	[sflag:s20] =	ssyncadd.s32 $0xFFFFC000  }
0xce: {  	_ =	swait.ge [sflag:s21], $0x4000  }
0xcf: {  	[sflag:s21] =	ssyncset.done $0x0  }
0xd0: {  	[sflag:s21] =	ssyncadd.s32 $0xFFFFC000  }
0xd1: {  	_ =	sfence.sel $0x180000  }
0xd2: {  	[bflag:$0x0] =	sbarrier.arrive $0xFFFF  }
0xd3: {  	p0 =	sne.s32 s1, $0x0;
	_ =	strace $0x90000047  }
0xd4: {  	s0 =	sadd.s32 @!p0 $0x100000, s0;
	[bflag:$0x2] =	sbarrier.arrive $0xFFFF  }
0xd5: {  	[sflag:s0] =	ssyncadd.tile.s32 @!p0 $0x1;
	_ =	shalt  }
.Lfunc_end2:
_tile_overlayer_lowered:
.L_overlay_start_2:
0xd6: {  	(tag) =	ssettag $0x2  }
0xd7: {  	s0 =	rddreg [dreg:$0x0];
	s2 =	stileid.u32  }
0xd8: {  	s1 =	rddreg [dreg:$0x1];
	p0 =	sne.s32 s2, $0x0  }
0xd9: {  	s3 =	rddreg [dreg:$0x2];
	[bflag:$0x3] =	sbarrier.arrive $0xFFFF;
	s2 =	simm.s32 @!p0 $0x1C05  }
0xda: {  	[timem:s3], [sflag:s2] =	dma.local @!p0 [hbm:s0], s1  }
0xdb: {  	s0 =	simm.s32 @!p0 $0x5  }
0xdc: {  	_ =	swait.ge @!p0 [sflag:s0], s1  }
0xdd: {  	s1 =	ssub.s32 @!p0 $0x0, s1;
	[sflag:s0] =	ssyncset.done @!p0 $0x0  }
0xde: {  	[sflag:s0] =	ssyncadd.s32 @!p0 s1  }
0xdf: {  	[bflag:$0x3] =	sbarrier.arrive $0xFFFF  }
0xe0: {  	_ =	shalt  }

</sc_bundles>
